<compile_context>
chip_gen: v7x
topology: tpu7x:2x2x1
jax: 0.10.2.dev20260603
libtpu: 0.0.44.dev20260713+nightly
codegen_flags: <defaults>
</compile_context>

<pallas_src>
import jax
import jax.numpy as jnp
from jax import lax
from jax.experimental import pallas as pl
from jax.experimental.pallas import tpu as pltpu
from jax.experimental.pallas import tpu_sc as plsc

N = 50000
K = 10
D = 160
H = 10
HD = D // H
EF = 16
TF = 100

NC = 2
NS = 16
NW = NC * NS
LANES = 16

NPAD = 51200
GPW = NPAD * K // NW
GCH = 320
NCHUNK = GPW // GCH
NBUF = 2
MPW = NPAD // NW
NIDS = 51200

T = 400
GRID = N // T


def _sc_mesh():
    return plsc.VectorSubcoreMesh(
        core_axis_name="c", subcore_axis_name="s", num_cores=NC, num_subcores=NS)


def _gather_body(emb_hbm, idx_hbm, out_hbm, idx_v, *bufsems):
    wid = lax.axis_index("s") * NC + lax.axis_index("c")
    pltpu.sync_copy(idx_hbm.at[wid], idx_v)
    base = wid * GPW
    bufs = bufsems[:NBUF]
    gsems = bufsems[NBUF:2 * NBUF]
    ssems = bufsems[2 * NBUF:]

    def g_desc(j, b):
        return pltpu.make_async_copy(
            emb_hbm.at[idx_v.at[pl.ds(j * GCH, GCH)]], bufs[b], gsems[b])

    def s_desc(j, b):
        return pltpu.make_async_copy(
            bufs[b], out_hbm.at[pl.ds(base + j * GCH, GCH)], ssems[b])

    for b in range(NBUF - 1):
        g_desc(b, b).start()

    def step(jo, carry):
        j = NBUF * jo
        for b in range(NBUF):
            jj = j + b
            nb = (b + NBUF - 1) % NBUF

            @pl.when(jj + NBUF - 1 < NCHUNK)
            def _(jj=jj, nb=nb):
                @pl.when(jj >= 1)
                def _():
                    s_desc(jj - 1, nb).wait()

                g_desc(jj + NBUF - 1, nb).start()

            g_desc(jj, b).wait()
            s_desc(jj, b).start()
        return carry

    lax.fori_loop(0, NCHUNK // NBUF, step, 0, unroll=False)
    for jj in range(NCHUNK - NBUF, NCHUNK):
        s_desc(jj, jj % NBUF).wait()


def _sc_gather(emb, idx):
    return pl.kernel(
        _gather_body,
        out_type=jax.ShapeDtypeStruct((NPAD * K, D), jnp.float32),
        mesh=_sc_mesh(),
        scratch_types=(
            [pltpu.VMEM((GPW,), jnp.int32)]
            + [pltpu.VMEM((GCH, D), jnp.float32)] * NBUF
            + [pltpu.SemaphoreType.DMA] * (2 * NBUF)
        ),
        compiler_params=pltpu.CompilerParams(use_tc_tiling_on_sc=False),
    )(emb, idx)


def _mask_body(ids_hbm, mask_hbm, ids_v, mbuf):
    wid = lax.axis_index("s") * NC + lax.axis_index("c")
    pltpu.sync_copy(ids_hbm, ids_v)
    lo = wid * MPW
    zeros = jnp.zeros((LANES,), jnp.float32)
    ones = jnp.full((LANES,), 1.0, jnp.float32)

    def zstep(i, carry):
        mbuf[pl.ds(i * LANES, LANES)] = zeros
        return carry

    lax.fori_loop(0, MPW // LANES, zstep, 0, unroll=False)

    def sstep(j, carry):
        v = ids_v[pl.ds(j * LANES, LANES)]
        rel = v - lo
        inr = (rel >= 0) & (rel < MPW)
        relc = jnp.where(inr, rel, 0)
        plsc.store_scatter(mbuf, [relc], ones, mask=inr)
        return carry

    lax.fori_loop(0, NIDS // LANES, sstep, 0, unroll=False)
    pltpu.sync_copy(mbuf, mask_hbm.at[pl.ds(lo, MPW)])


def _sc_mask(ids):
    return pl.kernel(
        _mask_body,
        out_type=jax.ShapeDtypeStruct((NPAD,), jnp.float32),
        mesh=_sc_mesh(),
        scratch_types=[
            pltpu.VMEM((NIDS,), jnp.int32),
            pltpu.VMEM((MPW,), jnp.float32),
        ],
        compiler_params=pltpu.CompilerParams(needs_layout_passes=False),
    )(ids)


_COSC = (0.9999590208378105, -19.730942366861836, 64.67144177616463,
         -82.39080631177197, 45.62105110286001)
_INV2PI = 0.15915494309189535


def _fast_cos(x):
    u = x * jnp.float32(_INV2PI)
    u = u - jnp.floor(u + 0.5)
    w = u * u
    acc = jnp.float32(_COSC[4])
    for c in (_COSC[3], _COSC[2], _COSC[1], _COSC[0]):
        acc = acc * w + jnp.float32(c)
    return acc


def _tc_body(emb_ref, gath_ref, times_ref, mask_ref, ef0_ref,
             WqT_ref, WkT_ref, WvT_ref, Wc1T_ref, Wc2T_ref, Wc3T_ref,
             WeT_ref, WtT_ref, bq_ref, bk_ref, bv_ref, bc_ref, be_ref,
             btr_ref, lng_ref, lnb_ref, twr_ref, tbr_ref,
             out_ref, vv_scr, s_scr, pt_scr, segt_scr, wtm_scr, btm_scr,
             c0_scr, rep_scr, bkh_scr):
    f32 = jnp.float32

    @pl.when(pl.program_id(0) == 0)
    def _():
        PT = (lax.broadcasted_iota(jnp.int32, (D, H), 0) // HD
              == lax.broadcasted_iota(jnp.int32, (D, H), 1)).astype(f32)
        SEGT = (lax.broadcasted_iota(jnp.int32, (H, D), 1) // HD
                == lax.broadcasted_iota(jnp.int32, (H, D), 0)).astype(f32)
        segt_scr[...] = SEGT
        REP = (lax.broadcasted_iota(jnp.int32, (HD, D), 1) % HD
               == lax.broadcasted_iota(jnp.int32, (HD, D), 0)).astype(f32)
        rep_scr[...] = REP
        wtm_scr[...] = jnp.dot(WtT_ref[...], PT,
                               preferred_element_type=f32) * (1.0 / HD)
        btm_scr[...] = jnp.dot(btr_ref[...], PT,
                               preferred_element_type=f32) * (1.0 / HD)
        bkh_scr[...] = jnp.dot(REP * bk_ref[...], PT,
                               preferred_element_type=f32) * 0.25
        pt_scr[...] = PT * 0.25
        ec = (jnp.dot(ef0_ref[...], WeT_ref[...], preferred_element_type=f32)
              + be_ref[...])
        c0_scr[...] = (jnp.dot(ec, Wc2T_ref[...], preferred_element_type=f32)
                       + bc_ref[...])

    emb = emb_ref[...]
    q = jnp.dot(emb, WqT_ref[...], preferred_element_type=f32) + bq_ref[...]

    PT = pt_scr[...]
    SEGT = segt_scr[...]
    wtmT = wtm_scr[...]
    btm = btm_scr[...]
    c0 = c0_scr[...]

    wkT = WkT_ref[...]
    wvT = WvT_ref[...]
    bk = bk_ref[...]
    bv = bv_ref[...]
    twr = twr_ref[...]
    tbr = tbr_ref[...]

    REP = rep_scr[...]
    BKH = bkh_scr[...]

    m = jnp.full((T, H), -jnp.inf, f32)
    for k in range(K):
        g = gath_ref[k].astype(jnp.bfloat16)
        kk = jnp.dot(g, wkT, preferred_element_type=f32)
        vv_scr[k] = jnp.dot(g, wvT, preferred_element_type=f32)
        qs = q[:, k * HD:(k + 1) * HD]
        qrep = jnp.concatenate([qs] * H, axis=1)
        a = (jnp.dot(qrep * kk, PT, preferred_element_type=f32)
             + jnp.dot(qs, BKH, preferred_element_type=f32))
        cosm = _fast_cos(times_ref[:, k:k + 1] * twr + tbr)
        sc = a + jnp.dot(cosm, wtmT, preferred_element_type=f32) + btm
        s_scr[k] = sc
        m = jnp.maximum(m, sc)

    den = jnp.zeros((T, H), f32)
    ao = jnp.zeros((T, D), f32)
    for k in range(K):
        e = jnp.exp(s_scr[k] - m)
        den = den + e
        ao = ao + jnp.dot(e, SEGT, preferred_element_type=f32) * vv_scr[k]
    ao = ao * jnp.dot(1.0 / den, SEGT, preferred_element_type=f32) + bv

    out = (jnp.dot(ao, Wc1T_ref[...], preferred_element_type=f32)
           + jnp.dot(q, Wc3T_ref[...], preferred_element_type=f32)
           + c0 + emb)
    mu = jnp.mean(out, axis=1, keepdims=True)
    ctr = out - mu
    var = jnp.mean(ctr * ctr, axis=1, keepdims=True)
    y = ctr * lax.rsqrt(var + 1e-5) * lng_ref[...] + lnb_ref[...]
    out_ref[...] = jnp.where(mask_ref[...] > 0.5, y, emb)


def _tc_call(emb, gath3, times, maskc, ef0, WqT, WkT, WvT, Wc1T, Wc2T, Wc3T,
             WeT, WtT, bq, bk, bv, bc, be, btr, lng, lnb, twr, tbr):
    full = lambda shape: pl.BlockSpec(shape, lambda i: (0,) * len(shape))
    return pl.pallas_call(
        _tc_body,
        grid=(GRID,),
        in_specs=[
            pl.BlockSpec((T, D), lambda i: (i, 0)),
            pl.BlockSpec((K, T, D), lambda i: (0, i, 0)),
            pl.BlockSpec((T, K), lambda i: (i, 0)),
            pl.BlockSpec((T, 1), lambda i: (i, 0)),
            full((1, EF)),
            full((D, D)), full((D, D)), full((D, D)),
            full((D, D)), full((D, D)), full((D, D)),
            full((EF, D)), full((TF, D)),
            full((1, D)), full((1, D)), full((1, D)), full((1, D)),
            full((1, D)), full((1, D)), full((1, D)), full((1, D)),
            full((1, TF)), full((1, TF)),
        ],
        out_specs=pl.BlockSpec((T, D), lambda i: (i, 0)),
        out_shape=jax.ShapeDtypeStruct((N, D), jnp.float32),
        scratch_shapes=[
            pltpu.VMEM((K, T, D), jnp.float32),
            pltpu.VMEM((K, T, H), jnp.float32),
            pltpu.VMEM((D, H), jnp.float32),
            pltpu.VMEM((H, D), jnp.float32),
            pltpu.VMEM((TF, H), jnp.float32),
            pltpu.VMEM((1, H), jnp.float32),
            pltpu.VMEM((1, D), jnp.float32),
            pltpu.VMEM((HD, D), jnp.float32),
            pltpu.VMEM((HD, H), jnp.float32),
        ],
    )(emb, gath3, times, maskc, ef0, WqT, WkT, WvT, Wc1T, Wc2T, Wc3T,
      WeT, WtT, bq, bk, bv, bc, be, btr, lng, lnb, twr, tbr)


def kernel(node_embeddings, src_node_ids, dst_node_ids, timestamps,
           edge_features, neighbor_ids, neighbor_times, Wq, bq, Wk, bk, Wv, bv,
           We, be, Wt, bt, Wc, bc, Wo, bo, ln_g, ln_b, tw, tb):
    emb = node_embeddings
    i32 = jnp.int32

    nbrT = jnp.pad(neighbor_ids.astype(i32).T, ((0, 0), (0, NPAD - N)))
    idx = nbrT.reshape(NW, GPW)
    npad_ids = NIDS - src_node_ids.shape[0] - dst_node_ids.shape[0]
    ids = jnp.concatenate([
        src_node_ids.astype(i32), dst_node_ids.astype(i32),
        jnp.full((npad_ids,), N, i32)])

    gathered = _sc_gather(emb, idx)
    maskv = _sc_mask(ids)

    row = lambda v: v.reshape(1, -1)
    WcT = Wc.T
    out = _tc_call(
        emb, gathered.reshape(K, NPAD, D), neighbor_times,
        maskv.reshape(NPAD, 1)[:N].reshape(N, 1), edge_features[0:1],
        Wq.T, Wk.T.astype(jnp.bfloat16), Wv.T.astype(jnp.bfloat16),
        WcT[:D], WcT[D:2 * D], WcT[2 * D:],
        We.T, Wt.T, row(bq), row(bk), row(bv), row(bc), row(be),
        row(bt), row(ln_g), row(ln_b), row(tw[:, 0]), row(tb))
    return out

# --- scband reference (transcript-rebuilt; emitter-appended) ---
"""Pipeline reference for scband-tgatlayer-70557722738860 (READ-ONLY COPY).

The authoritative reference and input builder live on the scoring server;
editing this copy changes nothing except your own understanding.
"""

import jax, jax.numpy as jnp
import numpy as np

N = 50000
K = 10
D = 160
H = 10
HD = D // H
EF = 16
TF = 100
B = 25000


def _layer_norm(x, g, b, eps=1e-5):
    mu = x.mean(-1, keepdims=True)
    var = ((x - mu) ** 2).mean(-1, keepdims=True)
    return (x - mu) / jnp.sqrt(var + eps) * g + b


def setup_inputs(seed: int = 0) -> dict:
    key = jax.random.key(seed)
    ks = jax.random.split(key, 24)
    s = 0.05
    inp = {}
    inp['node_embeddings'] = jax.random.normal(ks[0], (N, D), dtype=jnp.float32)
    inp['src_node_ids'] = jax.random.randint(ks[1], (B,), 0, N)
    inp['dst_node_ids'] = jax.random.randint(ks[2], (B,), 0, N)
    inp['timestamps'] = jax.random.uniform(ks[3], (B,), dtype=jnp.float32) * 1000.0
    inp['edge_features'] = jax.random.normal(ks[4], (B, EF), dtype=jnp.float32)
    inp['neighbor_ids'] = jax.random.randint(ks[5], (N, K), 0, N)
    inp['neighbor_times'] = jax.random.uniform(ks[6], (N, K), dtype=jnp.float32) * 1000.0
    inp['Wq'] = jax.random.normal(ks[7], (D, D), dtype=jnp.float32) * s
    inp['bq'] = jnp.zeros((D,), dtype=jnp.float32)
    inp['Wk'] = jax.random.normal(ks[8], (D, D), dtype=jnp.float32) * s
    inp['bk'] = jnp.zeros((D,), dtype=jnp.float32)
    inp['Wv'] = jax.random.normal(ks[9], (D, D), dtype=jnp.float32) * s
    inp['bv'] = jnp.zeros((D,), dtype=jnp.float32)
    inp['We'] = jax.random.normal(ks[10], (D, EF), dtype=jnp.float32) * s
    inp['be'] = jnp.zeros((D,), dtype=jnp.float32)
    inp['Wt'] = jax.random.normal(ks[11], (D, TF), dtype=jnp.float32) * s
    inp['bt'] = jnp.zeros((D,), dtype=jnp.float32)
    inp['Wc'] = jax.random.normal(ks[12], (D, 3 * D), dtype=jnp.float32) * s
    inp['bc'] = jnp.zeros((D,), dtype=jnp.float32)
    inp['Wo'] = jax.random.normal(ks[13], (D, D), dtype=jnp.float32) * s
    inp['bo'] = jnp.zeros((D,), dtype=jnp.float32)
    inp['ln_g'] = jnp.ones((D,), dtype=jnp.float32)
    inp['ln_b'] = jnp.zeros((D,), dtype=jnp.float32)
    inp['tw'] = jax.random.normal(ks[14], (TF, 1), dtype=jnp.float32) * s
    inp['tb'] = jnp.zeros((TF,), dtype=jnp.float32)
    return inp


def reference(node_embeddings, src_node_ids, dst_node_ids, timestamps, edge_features, neighbor_ids, neighbor_times, Wq, bq, Wk, bk, Wv, bv, We, be, Wt, bt, Wc, bc, Wo, bo, ln_g, ln_b, tw, tb):
    n_total = node_embeddings.shape[0]
    # query projection for every node
    q = node_embeddings @ Wq.T + bq
    # temporal-neighbor gather (SparseCore gather): [N, K, D]
    neigh = jnp.take(node_embeddings, neighbor_ids, axis=0)
    keys = (neigh @ Wk.T + bk).reshape(n_total, K, H, HD)
    vals = (neigh @ Wv.T + bv).reshape(n_total, K, H, HD)
    qh = q.reshape(n_total, 1, H, HD)
    # replicate torch broadcast (qh * keys.transpose(0,1)).sum(-1): valid since H == K
    attn = (qh * jnp.swapaxes(keys, 1, 2)).sum(-1) / jnp.sqrt(jnp.float32(HD))
    # module uses edge_features[0] for every node
    edge_ctx = edge_features[0] @ We.T + be
    # TimeEncoder: cos(Linear(1->TF)(t))
    t_enc = jnp.cos(neighbor_times[..., None] * tw[:, 0] + tb)
    time_ctx = jnp.swapaxes((t_enc @ Wt.T + bt).reshape(n_total, K, H, HD), 1, 2)
    attn = attn + time_ctx.mean(-1)
    w = jax.nn.softmax(attn, axis=-1)
    attn_out = jnp.einsum('bhn,bnhd->bhd', w, vals).reshape(n_total, D)
    combined = jnp.concatenate([attn_out, jnp.broadcast_to(edge_ctx, (n_total, D)), q], axis=-1)
    combined = combined @ Wc.T + bc
    # dropout in eval mode = identity; input_dim == output_dim -> residual
    updated_batch = _layer_norm(combined + node_embeddings, ln_g, ln_b)
    # only nodes appearing in the interaction batch are updated; others fall back to input embeddings
    in_batch = jnp.zeros((n_total,), dtype=bool).at[src_node_ids].set(True).at[dst_node_ids].set(True)
    return jnp.where(in_batch[:, None], updated_batch, node_embeddings)

if __name__ == "__main__":
    import jax
    _d = setup_inputs()
    print(jax.jit(kernel)(*tuple(_d.values())))

</pallas_src>

<mosaic_0001>
#map = affine_map<(d0, d1) -> (0, 0)>
module attributes {stable_mosaic.version = 14 : i64} {
  func.func @_gather_body(%arg0: i32, %arg1: i32, %arg2: memref<50000x160xf32, #tpu.memory_space<hbm>>, %arg3: memref<32x16000xi32, #tpu.memory_space<hbm>>, %arg4: memref<512000x160xf32, #tpu.memory_space<hbm>>, %arg5: memref<16000xi32, #tpu.memory_space<vmem>>, %arg6: memref<320x160xf32, #tpu.memory_space<vmem>>, %arg7: memref<320x160xf32, #tpu.memory_space<vmem>>, %arg8: memref<!tpu.dma_semaphore, #tpu.memory_space<semaphore_mem>>, %arg9: memref<!tpu.dma_semaphore, #tpu.memory_space<semaphore_mem>>, %arg10: memref<!tpu.dma_semaphore, #tpu.memory_space<semaphore_mem>>, %arg11: memref<!tpu.dma_semaphore, #tpu.memory_space<semaphore_mem>>) attributes {dimension_semantics = [#tpu.dimension_semantics<core_parallel>, #tpu.dimension_semantics<subcore_parallel>], iteration_bounds = array<i64: 2, 16>, scalar_prefetch = 0 : i64, scratch_operands = 7 : i64, tpu.core_type = #tpu.core_type<sc_vector_subcore>, window_params = [{transform_indices = #map}, {transform_indices = #map}, {transform_indices = #map}]} {
    %mul3A = arith.constant 2 : i32
    %mul3A_0 = arith.muli %arg1, %mul3A : i32
    %add3A = arith.addi %mul3A_0, %arg0 : i32
    "tpu.region"() ({
      %run_scoped3A = tpu.sem_alloc : memref<!tpu.dma_semaphore, #tpu.memory_space<semaphore_mem>>
      %dma_start3A_23 = arith.constant 0 : i32
      %dma_start3A_24 = tpu.memref_slice %arg3[%add3A, %dma_start3A_23] : memref<32x16000xi32, #tpu.memory_space<hbm>> -> memref<1x16000xi32, #tpu.memory_space<hbm>>
      %dma_start3A_25 = tpu.memref_squeeze %dma_start3A_24 : memref<1x16000xi32, #tpu.memory_space<hbm>> -> memref<16000xi32, #tpu.memory_space<hbm>>
      %dma_start3A_26 = arith.constant 0 : i32
      %dma_start3A_27 = tpu.memref_slice %arg3[%add3A, %dma_start3A_26] : memref<32x16000xi32, #tpu.memory_space<hbm>> -> memref<1x16000xi32, #tpu.memory_space<hbm>>
      %dma_start3A_28 = tpu.memref_squeeze %dma_start3A_27 : memref<1x16000xi32, #tpu.memory_space<hbm>> -> memref<16000xi32, #tpu.memory_space<hbm>>
      tpu.enqueue_dma source(%dma_start3A_28 : memref<16000xi32, #tpu.memory_space<hbm>>) target(%arg5 : memref<16000xi32, #tpu.memory_space<vmem>>) target_semaphore(%run_scoped3A : memref<!tpu.dma_semaphore, #tpu.memory_space<semaphore_mem>>)
      %dma_wait3A_29 = arith.constant 0 : i32
      %dma_wait3A_30 = tpu.memref_slice %arg3[%add3A, %dma_wait3A_29] : memref<32x16000xi32, #tpu.memory_space<hbm>> -> memref<1x16000xi32, #tpu.memory_space<hbm>>
      %dma_wait3A_31 = tpu.memref_squeeze %dma_wait3A_30 : memref<1x16000xi32, #tpu.memory_space<hbm>> -> memref<16000xi32, #tpu.memory_space<hbm>>
      %dma_wait3A_32 = arith.constant 0 : i32
      %dma_wait3A_33 = tpu.memref_slice %arg3[%add3A, %dma_wait3A_32] : memref<32x16000xi32, #tpu.memory_space<hbm>> -> memref<1x16000xi32, #tpu.memory_space<hbm>>
      %dma_wait3A_34 = tpu.memref_squeeze %dma_wait3A_33 : memref<1x16000xi32, #tpu.memory_space<hbm>> -> memref<16000xi32, #tpu.memory_space<hbm>>
      tpu.wait_dma2 semaphore(%run_scoped3A : memref<!tpu.dma_semaphore, #tpu.memory_space<semaphore_mem>>) src(%dma_wait3A_34 : memref<16000xi32, #tpu.memory_space<hbm>>) dst(%arg5 : memref<16000xi32, #tpu.memory_space<vmem>>)
      tpu.yield
    }) : () -> ()
    %mul3A_1 = arith.constant 16000 : i32
    %mul3A_2 = arith.muli %add3A, %mul3A_1 : i32
    %dma_start3A = arith.constant 0 : i32
    %dma_start3A_3 = tpu.memref_slice %arg5[%dma_start3A] : memref<16000xi32, #tpu.memory_space<vmem>> -> memref<320xi32, #tpu.memory_space<vmem>>
    %dma_start3A_4 = arith.constant 0 : i32
    %dma_start3A_5 = arith.constant 0 : i32
    %dma_start3A_6 = tpu.memref_slice %arg2[%dma_start3A_4, %dma_start3A_5] : memref<50000x160xf32, #tpu.memory_space<hbm>> -> memref<50000x160xf32, #tpu.memory_space<hbm>>
    tpu.enqueue_indirect_dma source(%dma_start3A_6 : memref<50000x160xf32, #tpu.memory_space<hbm>>) target(%arg6 : memref<320x160xf32, #tpu.memory_space<vmem>>) offsets(%dma_start3A_3 : memref<320xi32, #tpu.memory_space<vmem>>) semaphore(%arg8 : memref<!tpu.dma_semaphore, #tpu.memory_space<semaphore_mem>>)
    %scan3A = arith.constant 0 : i32
    %scan3A_7 = arith.constant 0 : i32
    %scan3A_8 = arith.constant 25 : i32
    %scan3A_9 = arith.addi %scan3A_7, %scan3A_8 : i32
    %scan3A_10 = arith.constant 1 : i32
    scf.for %scan3A_23 = %scan3A_7 to %scan3A_9 step %scan3A_10  : i32 {
      %mul3A_24 = arith.constant 2 : i32
      %mul3A_25 = arith.muli %mul3A_24, %scan3A_23 : i32
      %add3A_26 = arith.constant 0 : i32
      %add3A_27 = arith.addi %mul3A_25, %add3A_26 : i32
      %add3A_28 = arith.constant 2 : i32
      %add3A_29 = arith.addi %add3A_27, %add3A_28 : i32
      %sub3A = arith.constant 1 : i32
      %sub3A_30 = arith.subi %add3A_29, %sub3A : i32
      %lt3A = arith.constant 50 : i32
      %lt3A_31 = arith.cmpi slt, %sub3A_30, %lt3A : i32
      %convert_element_type3A = arith.extui %lt3A_31 : i1 to i32
      %cond3A = arith.constant 0 : i32
      %cond3A_32 = arith.cmpi ne, %convert_element_type3A, %cond3A : i32
      scf.if %cond3A_32 {
        %ge3A = arith.constant 1 : i32
        %ge3A_70 = arith.cmpi sge, %add3A_27, %ge3A : i32
        %convert_element_type3A_71 = arith.extui %ge3A_70 : i1 to i32
        %cond3A_72 = arith.constant 0 : i32
        %cond3A_73 = arith.cmpi ne, %convert_element_type3A_71, %cond3A_72 : i32
        scf.if %cond3A_73 {
          %sub3A_84 = arith.constant 1 : i32
          %sub3A_85 = arith.subi %add3A_27, %sub3A_84 : i32
          %mul3A_86 = arith.constant 320 : i32
          %mul3A_87 = arith.muli %sub3A_85, %mul3A_86 : i32
          %add3A_88 = arith.addi %mul3A_2, %mul3A_87 : i32
          %dma_wait3A_89 = arith.constant 0 : i32
          %dma_wait3A_90 = tpu.memref_slice %arg4[%add3A_88, %dma_wait3A_89] : memref<512000x160xf32, #tpu.memory_space<hbm>> -> memref<320x160xf32, #tpu.memory_space<hbm>>
          %dma_wait3A_91 = arith.constant 0 : i32
          %dma_wait3A_92 = tpu.memref_slice %arg4[%add3A_88, %dma_wait3A_91] : memref<512000x160xf32, #tpu.memory_space<hbm>> -> memref<320x160xf32, #tpu.memory_space<hbm>>
          tpu.wait_dma2 semaphore(%arg11 : memref<!tpu.dma_semaphore, #tpu.memory_space<semaphore_mem>>) src(%arg7 : memref<320x160xf32, #tpu.memory_space<vmem>>) dst(%dma_wait3A_92 : memref<320x160xf32, #tpu.memory_space<hbm>>)
        } else {
        }
        %add3A_74 = arith.constant 2 : i32
        %add3A_75 = arith.addi %add3A_27, %add3A_74 : i32
        %sub3A_76 = arith.constant 1 : i32
        %sub3A_77 = arith.subi %add3A_75, %sub3A_76 : i32
        %mul3A_78 = arith.constant 320 : i32
        %mul3A_79 = arith.muli %sub3A_77, %mul3A_78 : i32
        %dma_start3A_80 = tpu.memref_slice %arg5[%mul3A_79] : memref<16000xi32, #tpu.memory_space<vmem>> -> memref<320xi32, #tpu.memory_space<vmem>>
        %dma_start3A_81 = arith.constant 0 : i32
        %dma_start3A_82 = arith.constant 0 : i32
        %dma_start3A_83 = tpu.memref_slice %arg2[%dma_start3A_81, %dma_start3A_82] : memref<50000x160xf32, #tpu.memory_space<hbm>> -> memref<50000x160xf32, #tpu.memory_space<hbm>>
        tpu.enqueue_indirect_dma source(%dma_start3A_83 : memref<50000x160xf32, #tpu.memory_space<hbm>>) target(%arg7 : memref<320x160xf32, #tpu.memory_space<vmem>>) offsets(%dma_start3A_80 : memref<320xi32, #tpu.memory_space<vmem>>) semaphore(%arg9 : memref<!tpu.dma_semaphore, #tpu.memory_space<semaphore_mem>>)
      } else {
      }
      %mul3A_33 = arith.constant 320 : i32
      %mul3A_34 = arith.muli %add3A_27, %mul3A_33 : i32
      %dma_wait3A_35 = tpu.memref_slice %arg5[%mul3A_34] : memref<16000xi32, #tpu.memory_space<vmem>> -> memref<320xi32, #tpu.memory_space<vmem>>
      %dma_wait3A_36 = arith.constant 0 : i32
      %dma_wait3A_37 = arith.constant 0 : i32
      %dma_wait3A_38 = tpu.memref_slice %arg2[%dma_wait3A_36, %dma_wait3A_37] : memref<50000x160xf32, #tpu.memory_space<hbm>> -> memref<50000x160xf32, #tpu.memory_space<hbm>>
      tpu.wait_indirect_dma semaphore(%arg8 : memref<!tpu.dma_semaphore, #tpu.memory_space<semaphore_mem>>) src(%dma_wait3A_38 : memref<50000x160xf32, #tpu.memory_space<hbm>>) dst(%arg6 : memref<320x160xf32, #tpu.memory_space<vmem>>)
      %mul3A_39 = arith.constant 320 : i32
      %mul3A_40 = arith.muli %add3A_27, %mul3A_39 : i32
      %add3A_41 = arith.addi %mul3A_2, %mul3A_40 : i32
      %dma_start3A_42 = arith.constant 0 : i32
      %dma_start3A_43 = tpu.memref_slice %arg4[%add3A_41, %dma_start3A_42] : memref<512000x160xf32, #tpu.memory_space<hbm>> -> memref<320x160xf32, #tpu.memory_space<hbm>>
      %dma_start3A_44 = arith.constant 0 : i32
      %dma_start3A_45 = tpu.memref_slice %arg4[%add3A_41, %dma_start3A_44] : memref<512000x160xf32, #tpu.memory_space<hbm>> -> memref<320x160xf32, #tpu.memory_space<hbm>>
      tpu.enqueue_dma source(%arg6 : memref<320x160xf32, #tpu.memory_space<vmem>>) target(%dma_start3A_45 : memref<320x160xf32, #tpu.memory_space<hbm>>) target_semaphore(%arg10 : memref<!tpu.dma_semaphore, #tpu.memory_space<semaphore_mem>>)
      %add3A_46 = arith.constant 1 : i32
      %add3A_47 = arith.addi %mul3A_25, %add3A_46 : i32
      %add3A_48 = arith.constant 2 : i32
      %add3A_49 = arith.addi %add3A_47, %add3A_48 : i32
      %sub3A_50 = arith.constant 1 : i32
      %sub3A_51 = arith.subi %add3A_49, %sub3A_50 : i32
      %lt3A_52 = arith.constant 50 : i32
      %lt3A_53 = arith.cmpi slt, %sub3A_51, %lt3A_52 : i32
      %convert_element_type3A_54 = arith.extui %lt3A_53 : i1 to i32
      %cond3A_55 = arith.constant 0 : i32
      %cond3A_56 = arith.cmpi ne, %convert_element_type3A_54, %cond3A_55 : i32
      scf.if %cond3A_56 {
        %ge3A = arith.constant 1 : i32
        %ge3A_70 = arith.cmpi sge, %add3A_47, %ge3A : i32
        %convert_element_type3A_71 = arith.extui %ge3A_70 : i1 to i32
        %cond3A_72 = arith.constant 0 : i32
        %cond3A_73 = arith.cmpi ne, %convert_element_type3A_71, %cond3A_72 : i32
        scf.if %cond3A_73 {
          %sub3A_84 = arith.constant 1 : i32
          %sub3A_85 = arith.subi %add3A_47, %sub3A_84 : i32
          %mul3A_86 = arith.constant 320 : i32
          %mul3A_87 = arith.muli %sub3A_85, %mul3A_86 : i32
          %add3A_88 = arith.addi %mul3A_2, %mul3A_87 : i32
          %dma_wait3A_89 = arith.constant 0 : i32
          %dma_wait3A_90 = tpu.memref_slice %arg4[%add3A_88, %dma_wait3A_89] : memref<512000x160xf32, #tpu.memory_space<hbm>> -> memref<320x160xf32, #tpu.memory_space<hbm>>
          %dma_wait3A_91 = arith.constant 0 : i32
          %dma_wait3A_92 = tpu.memref_slice %arg4[%add3A_88, %dma_wait3A_91] : memref<512000x160xf32, #tpu.memory_space<hbm>> -> memref<320x160xf32, #tpu.memory_space<hbm>>
          tpu.wait_dma2 semaphore(%arg10 : memref<!tpu.dma_semaphore, #tpu.memory_space<semaphore_mem>>) src(%arg6 : memref<320x160xf32, #tpu.memory_space<vmem>>) dst(%dma_wait3A_92 : memref<320x160xf32, #tpu.memory_space<hbm>>)
        } else {
        }
        %add3A_74 = arith.constant 2 : i32
        %add3A_75 = arith.addi %add3A_47, %add3A_74 : i32
        %sub3A_76 = arith.constant 1 : i32
        %sub3A_77 = arith.subi %add3A_75, %sub3A_76 : i32
        %mul3A_78 = arith.constant 320 : i32
        %mul3A_79 = arith.muli %sub3A_77, %mul3A_78 : i32
        %dma_start3A_80 = tpu.memref_slice %arg5[%mul3A_79] : memref<16000xi32, #tpu.memory_space<vmem>> -> memref<320xi32, #tpu.memory_space<vmem>>
        %dma_start3A_81 = arith.constant 0 : i32
        %dma_start3A_82 = arith.constant 0 : i32
        %dma_start3A_83 = tpu.memref_slice %arg2[%dma_start3A_81, %dma_start3A_82] : memref<50000x160xf32, #tpu.memory_space<hbm>> -> memref<50000x160xf32, #tpu.memory_space<hbm>>
        tpu.enqueue_indirect_dma source(%dma_start3A_83 : memref<50000x160xf32, #tpu.memory_space<hbm>>) target(%arg6 : memref<320x160xf32, #tpu.memory_space<vmem>>) offsets(%dma_start3A_80 : memref<320xi32, #tpu.memory_space<vmem>>) semaphore(%arg8 : memref<!tpu.dma_semaphore, #tpu.memory_space<semaphore_mem>>)
      } else {
      }
      %mul3A_57 = arith.constant 320 : i32
      %mul3A_58 = arith.muli %add3A_47, %mul3A_57 : i32
      %dma_wait3A_59 = tpu.memref_slice %arg5[%mul3A_58] : memref<16000xi32, #tpu.memory_space<vmem>> -> memref<320xi32, #tpu.memory_space<vmem>>
      %dma_wait3A_60 = arith.constant 0 : i32
      %dma_wait3A_61 = arith.constant 0 : i32
      %dma_wait3A_62 = tpu.memref_slice %arg2[%dma_wait3A_60, %dma_wait3A_61] : memref<50000x160xf32, #tpu.memory_space<hbm>> -> memref<50000x160xf32, #tpu.memory_space<hbm>>
      tpu.wait_indirect_dma semaphore(%arg9 : memref<!tpu.dma_semaphore, #tpu.memory_space<semaphore_mem>>) src(%dma_wait3A_62 : memref<50000x160xf32, #tpu.memory_space<hbm>>) dst(%arg7 : memref<320x160xf32, #tpu.memory_space<vmem>>)
      %mul3A_63 = arith.constant 320 : i32
      %mul3A_64 = arith.muli %add3A_47, %mul3A_63 : i32
      %add3A_65 = arith.addi %mul3A_2, %mul3A_64 : i32
      %dma_start3A_66 = arith.constant 0 : i32
      %dma_start3A_67 = tpu.memref_slice %arg4[%add3A_65, %dma_start3A_66] : memref<512000x160xf32, #tpu.memory_space<hbm>> -> memref<320x160xf32, #tpu.memory_space<hbm>>
      %dma_start3A_68 = arith.constant 0 : i32
      %dma_start3A_69 = tpu.memref_slice %arg4[%add3A_65, %dma_start3A_68] : memref<512000x160xf32, #tpu.memory_space<hbm>> -> memref<320x160xf32, #tpu.memory_space<hbm>>
      tpu.enqueue_dma source(%arg7 : memref<320x160xf32, #tpu.memory_space<vmem>>) target(%dma_start3A_69 : memref<320x160xf32, #tpu.memory_space<hbm>>) target_semaphore(%arg11 : memref<!tpu.dma_semaphore, #tpu.memory_space<semaphore_mem>>)
    }
    %scan3A_11 = arith.constant 25 : i32
    %add3A_12 = arith.constant 15360 : i32
    %add3A_13 = arith.addi %mul3A_2, %add3A_12 : i32
    %dma_wait3A = arith.constant 0 : i32
    %dma_wait3A_14 = tpu.memref_slice %arg4[%add3A_13, %dma_wait3A] : memref<512000x160xf32, #tpu.memory_space<hbm>> -> memref<320x160xf32, #tpu.memory_space<hbm>>
    %dma_wait3A_15 = arith.constant 0 : i32
    %dma_wait3A_16 = tpu.memref_slice %arg4[%add3A_13, %dma_wait3A_15] : memref<512000x160xf32, #tpu.memory_space<hbm>> -> memref<320x160xf32, #tpu.memory_space<hbm>>
    tpu.wait_dma2 semaphore(%arg10 : memref<!tpu.dma_semaphore, #tpu.memory_space<semaphore_mem>>) src(%arg6 : memref<320x160xf32, #tpu.memory_space<vmem>>) dst(%dma_wait3A_16 : memref<320x160xf32, #tpu.memory_space<hbm>>)
    %add3A_17 = arith.constant 15680 : i32
    %add3A_18 = arith.addi %mul3A_2, %add3A_17 : i32
    %dma_wait3A_19 = arith.constant 0 : i32
    %dma_wait3A_20 = tpu.memref_slice %arg4[%add3A_18, %dma_wait3A_19] : memref<512000x160xf32, #tpu.memory_space<hbm>> -> memref<320x160xf32, #tpu.memory_space<hbm>>
    %dma_wait3A_21 = arith.constant 0 : i32
    %dma_wait3A_22 = tpu.memref_slice %arg4[%add3A_18, %dma_wait3A_21] : memref<512000x160xf32, #tpu.memory_space<hbm>> -> memref<320x160xf32, #tpu.memory_space<hbm>>
    tpu.wait_dma2 semaphore(%arg11 : memref<!tpu.dma_semaphore, #tpu.memory_space<semaphore_mem>>) src(%arg7 : memref<320x160xf32, #tpu.memory_space<vmem>>) dst(%dma_wait3A_22 : memref<320x160xf32, #tpu.memory_space<hbm>>)
    return
  }
}

#map = affine_map<(d0, d1) -> (0)>
module attributes {stable_mosaic.version = 14 : i64} {
  func.func @_mask_body(%arg0: i32, %arg1: i32, %arg2: memref<51200xi32, #tpu.memory_space<hbm>>, %arg3: memref<51200xf32, #tpu.memory_space<hbm>>, %arg4: memref<51200xi32, #tpu.memory_space<vmem>>, %arg5: memref<1600xf32, #tpu.memory_space<vmem>>) attributes {dimension_semantics = [#tpu.dimension_semantics<core_parallel>, #tpu.dimension_semantics<subcore_parallel>], iteration_bounds = array<i64: 2, 16>, scalar_prefetch = 0 : i64, scratch_operands = 2 : i64, tpu.core_type = #tpu.core_type<sc_vector_subcore>, window_params = [{transform_indices = #map}, {transform_indices = #map}]} {
    %mul3A = arith.constant 2 : i32
    %mul3A_0 = arith.muli %arg1, %mul3A : i32
    %add3A = arith.addi %mul3A_0, %arg0 : i32
    "tpu.region"() ({
      %run_scoped3A = tpu.sem_alloc : memref<!tpu.dma_semaphore, #tpu.memory_space<semaphore_mem>>
      tpu.enqueue_dma source(%arg2 : memref<51200xi32, #tpu.memory_space<hbm>>) target(%arg4 : memref<51200xi32, #tpu.memory_space<vmem>>) target_semaphore(%run_scoped3A : memref<!tpu.dma_semaphore, #tpu.memory_space<semaphore_mem>>)
      tpu.wait_dma2 semaphore(%run_scoped3A : memref<!tpu.dma_semaphore, #tpu.memory_space<semaphore_mem>>) src(%arg2 : memref<51200xi32, #tpu.memory_space<hbm>>) dst(%arg4 : memref<51200xi32, #tpu.memory_space<vmem>>)
      tpu.yield
    }) : () -> ()
    %mul3A_1 = arith.constant 1600 : i32
    %mul3A_2 = arith.muli %add3A, %mul3A_1 : i32
    %broadcast_in_dim3A = arith.constant 0.000000e+00 : f32
    %broadcast_in_dim3A_3 = vector.broadcast %broadcast_in_dim3A : f32 to vector<16xf32>
    %broadcast_in_dim3A_4 = arith.constant 1.000000e+00 : f32
    %broadcast_in_dim3A_5 = vector.broadcast %broadcast_in_dim3A_4 : f32 to vector<16xf32>
    %scan3A = arith.constant 0 : i32
    %scan3A_6 = arith.constant 0 : i32
    %scan3A_7 = arith.constant 100 : i32
    %scan3A_8 = arith.addi %scan3A_6, %scan3A_7 : i32
    %scan3A_9 = arith.constant 1 : i32
    scf.for %scan3A_17 = %scan3A_6 to %scan3A_8 step %scan3A_9  : i32 {
      %mul3A_18 = arith.constant 16 : i32
      %mul3A_19 = arith.muli %scan3A_17, %mul3A_18 : i32
      %swap3A = arith.index_cast %mul3A_19 : i32 to index
      %swap3A_20 = tpu.vector_load %arg5[%swap3A] {strides = array<i32>} : memref<1600xf32, #tpu.memory_space<vmem>>, vector<16xf32>,
      tpu.vector_store %arg5[%swap3A], %broadcast_in_dim3A_3 {strides = array<i32>} : memref<1600xf32, #tpu.memory_space<vmem>>, vector<16xf32>,
    }
    %scan3A_10 = arith.constant 100 : i32
    %scan3A_11 = arith.constant 0 : i32
    %scan3A_12 = arith.constant 0 : i32
    %scan3A_13 = arith.constant 3200 : i32
    %scan3A_14 = arith.addi %scan3A_12, %scan3A_13 : i32
    %scan3A_15 = arith.constant 1 : i32
    scf.for %scan3A_17 = %scan3A_12 to %scan3A_14 step %scan3A_15  : i32 {
      %mul3A_18 = arith.constant 16 : i32
      %mul3A_19 = arith.muli %scan3A_17, %mul3A_18 : i32
      %get3A = arith.index_cast %mul3A_19 : i32 to index
      %get3A_20 = tpu.vector_load %arg4[%get3A] {strides = array<i32>} : memref<51200xi32, #tpu.memory_space<vmem>>, vector<16xi32>,
      %sub3A = vector.broadcast %mul3A_2 : i32 to vector<16xi32>
      %sub3A_21 = arith.subi %get3A_20, %sub3A : vector<16xi32>
      %ge3A = arith.constant 0 : i32
      %ge3A_22 = vector.broadcast %ge3A : i32 to vector<16xi32>
      %ge3A_23 = arith.cmpi sge, %sub3A_21, %ge3A_22 : vector<16xi32>
      %lt3A = arith.constant 1600 : i32
      %lt3A_24 = vector.broadcast %lt3A : i32 to vector<16xi32>
      %lt3A_25 = arith.cmpi slt, %sub3A_21, %lt3A_24 : vector<16xi32>
      %and3A = arith.andi %ge3A_23, %lt3A_25 : vector<16xi1>
      %jit3A = arith.constant 0 : i32
      %broadcast_in_dim3A_26 = vector.broadcast %jit3A : i32 to vector<16xi32>
      %select_n3A = arith.select %and3A, %sub3A_21, %broadcast_in_dim3A_26 : vector<16xi1>, vector<16xi32>
      tpu.vector_store_idx %arg5[%select_n3A], %broadcast_in_dim3A_5 masked %and3A : memref<1600xf32, #tpu.memory_space<vmem>>[vector<16xi32>], vector<16xf32>, vector<16xi1>
    }
    %scan3A_16 = arith.constant 3200 : i32
    "tpu.region"() ({
      %run_scoped3A = tpu.sem_alloc : memref<!tpu.dma_semaphore, #tpu.memory_space<semaphore_mem>>
      %dma_start3A = tpu.memref_slice %arg3[%mul3A_2] : memref<51200xf32, #tpu.memory_space<hbm>> -> memref<1600xf32, #tpu.memory_space<hbm>>
      %dma_start3A_17 = tpu.memref_slice %arg3[%mul3A_2] : memref<51200xf32, #tpu.memory_space<hbm>> -> memref<1600xf32, #tpu.memory_space<hbm>>
      tpu.enqueue_dma source(%arg5 : memref<1600xf32, #tpu.memory_space<vmem>>) target(%dma_start3A_17 : memref<1600xf32, #tpu.memory_space<hbm>>) target_semaphore(%run_scoped3A : memref<!tpu.dma_semaphore, #tpu.memory_space<semaphore_mem>>)
      %dma_wait3A = tpu.memref_slice %arg3[%mul3A_2] : memref<51200xf32, #tpu.memory_space<hbm>> -> memref<1600xf32, #tpu.memory_space<hbm>>
      %dma_wait3A_18 = tpu.memref_slice %arg3[%mul3A_2] : memref<51200xf32, #tpu.memory_space<hbm>> -> memref<1600xf32, #tpu.memory_space<hbm>>
      tpu.wait_dma2 semaphore(%run_scoped3A : memref<!tpu.dma_semaphore, #tpu.memory_space<semaphore_mem>>) src(%arg5 : memref<1600xf32, #tpu.memory_space<vmem>>) dst(%dma_wait3A_18 : memref<1600xf32, #tpu.memory_space<hbm>>)
      tpu.yield
    }) : () -> ()
    return
  }
}

module attributes {stable_mosaic.version = 14 : i64} {
  func.func @_tc_body(%arg0: i32, %arg1: memref<400x160xf32, #tpu.memory_space<vmem>>, %arg2: memref<10x400x160xf32, #tpu.memory_space<vmem>>, %arg3: memref<400x10xf32, #tpu.memory_space<vmem>>, %arg4: memref<400x1xf32, #tpu.memory_space<vmem>>, %arg5: memref<1x16xf32, #tpu.memory_space<vmem>>, %arg6: memref<160x160xf32, #tpu.memory_space<vmem>>, %arg7: memref<160x160xbf16, #tpu.memory_space<vmem>>, %arg8: memref<160x160xbf16, #tpu.memory_space<vmem>>, %arg9: memref<160x160xf32, #tpu.memory_space<vmem>>, %arg10: memref<160x160xf32, #tpu.memory_space<vmem>>, %arg11: memref<160x160xf32, #tpu.memory_space<vmem>>, %arg12: memref<16x160xf32, #tpu.memory_space<vmem>>, %arg13: memref<100x160xf32, #tpu.memory_space<vmem>>, %arg14: memref<1x160xf32, #tpu.memory_space<vmem>>, %arg15: memref<1x160xf32, #tpu.memory_space<vmem>>, %arg16: memref<1x160xf32, #tpu.memory_space<vmem>>, %arg17: memref<1x160xf32, #tpu.memory_space<vmem>>, %arg18: memref<1x160xf32, #tpu.memory_space<vmem>>, %arg19: memref<1x160xf32, #tpu.memory_space<vmem>>, %arg20: memref<1x160xf32, #tpu.memory_space<vmem>>, %arg21: memref<1x160xf32, #tpu.memory_space<vmem>>, %arg22: memref<1x100xf32, #tpu.memory_space<vmem>>, %arg23: memref<1x100xf32, #tpu.memory_space<vmem>>, %arg24: memref<400x160xf32, #tpu.memory_space<vmem>>, %arg25: memref<10x400x160xf32, #tpu.memory_space<vmem>>, %arg26: memref<10x400x10xf32, #tpu.memory_space<vmem>>, %arg27: memref<160x10xf32, #tpu.memory_space<vmem>>, %arg28: memref<10x160xf32, #tpu.memory_space<vmem>>, %arg29: memref<100x10xf32, #tpu.memory_space<vmem>>, %arg30: memref<1x10xf32, #tpu.memory_space<vmem>>, %arg31: memref<1x160xf32, #tpu.memory_space<vmem>>, %arg32: memref<16x160xf32, #tpu.memory_space<vmem>>, %arg33: memref<16x10xf32, #tpu.memory_space<vmem>>) attributes {dimension_semantics = [#tpu.dimension_semantics<arbitrary>], iteration_bounds = array<i64: 125>, scalar_prefetch = 0 : i64, scratch_operands = 9 : i64, tpu.core_type = #tpu.core_type<tc>, window_params = [{transform_indices = @transform_0, window_bounds = array<i64: 400, 160>}, {transform_indices = @transform_1, window_bounds = array<i64: 10, 400, 160>}, {transform_indices = @transform_2, window_bounds = array<i64: 400, 10>}, {transform_indices = @transform_3, window_bounds = array<i64: 400, 1>}, {pipeline_mode = #tpu.pipeline_mode<synchronous>, transform_indices = @transform_4, window_bounds = array<i64: 1, 16>}, {pipeline_mode = #tpu.pipeline_mode<synchronous>, transform_indices = @transform_5, window_bounds = array<i64: 160, 160>}, {pipeline_mode = #tpu.pipeline_mode<synchronous>, transform_indices = @transform_6, window_bounds = array<i64: 160, 160>}, {pipeline_mode = #tpu.pipeline_mode<synchronous>, transform_indices = @transform_7, window_bounds = array<i64: 160, 160>}, {pipeline_mode = #tpu.pipeline_mode<synchronous>, transform_indices = @transform_8, window_bounds = array<i64: 160, 160>}, {pipeline_mode = #tpu.pipeline_mode<synchronous>, transform_indices = @transform_9, window_bounds = array<i64: 160, 160>}, {pipeline_mode = #tpu.pipeline_mode<synchronous>, transform_indices = @transform_10, window_bounds = array<i64: 160, 160>}, {pipeline_mode = #tpu.pipeline_mode<synchronous>, transform_indices = @transform_11, window_bounds = array<i64: 16, 160>}, {pipeline_mode = #tpu.pipeline_mode<synchronous>, transform_indices = @transform_12, window_bounds = array<i64: 100, 160>}, {pipeline_mode = #tpu.pipeline_mode<synchronous>, transform_indices = @transform_13, window_bounds = array<i64: 1, 160>}, {pipeline_mode = #tpu.pipeline_mode<synchronous>, transform_indices = @transform_14, window_bounds = array<i64: 1, 160>}, {pipeline_mode = #tpu.pipeline_mode<synchronous>, transform_indices = @transform_15, window_bounds = array<i64: 1, 160>}, {pipeline_mode = #tpu.pipeline_mode<synchronous>, transform_indices = @transform_16, window_bounds = array<i64: 1, 160>}, {pipeline_mode = #tpu.pipeline_mode<synchronous>, transform_indices = @transform_17, window_bounds = array<i64: 1, 160>}, {pipeline_mode = #tpu.pipeline_mode<synchronous>, transform_indices = @transform_18, window_bounds = array<i64: 1, 160>}, {pipeline_mode = #tpu.pipeline_mode<synchronous>, transform_indices = @transform_19, window_bounds = array<i64: 1, 160>}, {pipeline_mode = #tpu.pipeline_mode<synchronous>, transform_indices = @transform_20, window_bounds = array<i64: 1, 160>}, {pipeline_mode = #tpu.pipeline_mode<synchronous>, transform_indices = @transform_21, window_bounds = array<i64: 1, 100>}, {pipeline_mode = #tpu.pipeline_mode<synchronous>, transform_indices = @transform_22, window_bounds = array<i64: 1, 100>}, {transform_indices = @transform_23, window_bounds = array<i64: 400, 160>}]} {
    %eq3A = arith.constant 0 : i32
    %eq3A_0 = arith.cmpi eq, %arg0, %eq3A : i32
    %convert_element_type3A = arith.extui %eq3A_0 : i1 to i32
    %cond3A = arith.constant 0 : i32
    %cond3A_1 = arith.cmpi ne, %convert_element_type3A, %cond3A : i32
    scf.if %cond3A_1 {
      %iota3A = tpu.iota {dimensions = array<i32: 0>} : vector<160x10xi32>
      %jit3A = arith.constant 16 : i32
      %div3A_982 = vector.broadcast %jit3A : i32 to vector<160x10xi32>
      %div3A_983 = arith.divsi %iota3A, %div3A_982 : vector<160x10xi32>
      %sign3A = arith.constant 0 : i32
      %sign3A_984 = vector.broadcast %sign3A : i32 to vector<160x10xi32>
      %sign3A_985 = arith.cmpi sgt, %iota3A, %sign3A_984 : vector<160x10xi32>
      %sign3A_986 = arith.extui %sign3A_985 : vector<160x10xi1> to vector<160x10xi32>
      %sign3A_987 = arith.constant 0 : i32
      %sign3A_988 = vector.broadcast %sign3A_987 : i32 to vector<160x10xi32>
      %sign3A_989 = arith.cmpi slt, %iota3A, %sign3A_988 : vector<160x10xi32>
      %sign3A_990 = arith.extui %sign3A_989 : vector<160x10xi1> to vector<160x10xi32>
      %sign3A_991 = arith.subi %sign3A_986, %sign3A_990 : vector<160x10xi32>
      %sign3A_992 = arith.constant 0 : i32
      %sign3A_993 = arith.cmpi sgt, %jit3A, %sign3A_992 : i32
      %sign3A_994 = arith.extui %sign3A_993 : i1 to i32
      %sign3A_995 = arith.constant 0 : i32
      %sign3A_996 = arith.cmpi slt, %jit3A, %sign3A_995 : i32
      %sign3A_997 = arith.extui %sign3A_996 : i1 to i32
      %sign3A_998 = arith.subi %sign3A_994, %sign3A_997 : i32
      %ne3A = vector.broadcast %sign3A_998 : i32 to vector<160x10xi32>
      %ne3A_999 = arith.cmpi ne, %sign3A_991, %ne3A : vector<160x10xi32>
      %rem3A = vector.broadcast %jit3A : i32 to vector<160x10xi32>
      %rem3A_1000 = arith.remsi %iota3A, %rem3A : vector<160x10xi32>
      %ne3A_1001 = arith.constant 0 : i32
      %ne3A_1002 = vector.broadcast %ne3A_1001 : i32 to vector<160x10xi32>
      %ne3A_1003 = arith.cmpi ne, %rem3A_1000, %ne3A_1002 : vector<160x10xi32>
      %and3A = arith.andi %ne3A_999, %ne3A_1003 : vector<160x10xi1>
      %sub3A_1004 = arith.constant 1 : i32
      %sub3A_1005 = vector.broadcast %sub3A_1004 : i32 to vector<160x10xi32>
      %sub3A_1006 = arith.subi %div3A_983, %sub3A_1005 : vector<160x10xi32>
      %select_n3A_1007 = arith.select %and3A, %sub3A_1006, %div3A_983 : vector<160x10xi1>, vector<160x10xi32>
      %iota3A_1008 = tpu.iota {dimensions = array<i32: 1>} : vector<160x10xi32>
      %eq3A_1009 = arith.cmpi eq, %select_n3A_1007, %iota3A_1008 : vector<160x10xi32>
      %convert_element_type3A_1010 = arith.extui %eq3A_1009 : vector<160x10xi1> to vector<160x10xi32>
      %convert_element_type3A_1011 = arith.sitofp %convert_element_type3A_1010 : vector<160x10xi32> to vector<160x10xf32>
      %iota3A_1012 = tpu.iota {dimensions = array<i32: 1>} : vector<10x160xi32>
      %jit3A_1013 = arith.constant 16 : i32
      %div3A_1014 = vector.broadcast %jit3A_1013 : i32 to vector<10x160xi32>
      %div3A_1015 = arith.divsi %iota3A_1012, %div3A_1014 : vector<10x160xi32>
      %sign3A_1016 = arith.constant 0 : i32
      %sign3A_1017 = vector.broadcast %sign3A_1016 : i32 to vector<10x160xi32>
      %sign3A_1018 = arith.cmpi sgt, %iota3A_1012, %sign3A_1017 : vector<10x160xi32>
      %sign3A_1019 = arith.extui %sign3A_1018 : vector<10x160xi1> to vector<10x160xi32>
      %sign3A_1020 = arith.constant 0 : i32
      %sign3A_1021 = vector.broadcast %sign3A_1020 : i32 to vector<10x160xi32>
      %sign3A_1022 = arith.cmpi slt, %iota3A_1012, %sign3A_1021 : vector<10x160xi32>
      %sign3A_1023 = arith.extui %sign3A_1022 : vector<10x160xi1> to vector<10x160xi32>
      %sign3A_1024 = arith.subi %sign3A_1019, %sign3A_1023 : vector<10x160xi32>
      %sign3A_1025 = arith.constant 0 : i32
      %sign3A_1026 = arith.cmpi sgt, %jit3A_1013, %sign3A_1025 : i32
      %sign3A_1027 = arith.extui %sign3A_1026 : i1 to i32
      %sign3A_1028 = arith.constant 0 : i32
      %sign3A_1029 = arith.cmpi slt, %jit3A_1013, %sign3A_1028 : i32
      %sign3A_1030 = arith.extui %sign3A_1029 : i1 to i32
      %sign3A_1031 = arith.subi %sign3A_1027, %sign3A_1030 : i32
      %ne3A_1032 = vector.broadcast %sign3A_1031 : i32 to vector<10x160xi32>
      %ne3A_1033 = arith.cmpi ne, %sign3A_1024, %ne3A_1032 : vector<10x160xi32>
      %rem3A_1034 = vector.broadcast %jit3A_1013 : i32 to vector<10x160xi32>
      %rem3A_1035 = arith.remsi %iota3A_1012, %rem3A_1034 : vector<10x160xi32>
      %ne3A_1036 = arith.constant 0 : i32
      %ne3A_1037 = vector.broadcast %ne3A_1036 : i32 to vector<10x160xi32>
      %ne3A_1038 = arith.cmpi ne, %rem3A_1035, %ne3A_1037 : vector<10x160xi32>
      %and3A_1039 = arith.andi %ne3A_1033, %ne3A_1038 : vector<10x160xi1>
      %sub3A_1040 = arith.constant 1 : i32
      %sub3A_1041 = vector.broadcast %sub3A_1040 : i32 to vector<10x160xi32>
      %sub3A_1042 = arith.subi %div3A_1015, %sub3A_1041 : vector<10x160xi32>
      %select_n3A_1043 = arith.select %and3A_1039, %sub3A_1042, %div3A_1015 : vector<10x160xi1>, vector<10x160xi32>
      %iota3A_1044 = tpu.iota {dimensions = array<i32: 0>} : vector<10x160xi32>
      %eq3A_1045 = arith.cmpi eq, %select_n3A_1043, %iota3A_1044 : vector<10x160xi32>
      %convert_element_type3A_1046 = arith.extui %eq3A_1045 : vector<10x160xi1> to vector<10x160xi32>
      %convert_element_type3A_1047 = arith.sitofp %convert_element_type3A_1046 : vector<10x160xi32> to vector<10x160xf32>
      %swap3A_1048 = arith.constant 0 : index
      %swap3A_1049 = arith.constant 0 : index
      %swap3A_1050 = vector.load %arg28[%swap3A_1048, %swap3A_1049] : memref<10x160xf32, #tpu.memory_space<vmem>>, vector<10x160xf32>
      tpu.vector_store %arg28[%swap3A_1048, %swap3A_1049], %convert_element_type3A_1047 {strides = array<i32>} : memref<10x160xf32, #tpu.memory_space<vmem>>, vector<10x160xf32>,
      %iota3A_1051 = tpu.iota {dimensions = array<i32: 1>} : vector<16x160xi32>
      %jit3A_1052 = arith.constant 16 : i32
      %eq3A_1053 = arith.constant 0 : i32
      %eq3A_1054 = arith.cmpi eq, %jit3A_1052, %eq3A_1053 : i32
      %jit3A_1055 = arith.constant 1 : i32
      %select_n3A_1056 = arith.select %eq3A_1054, %jit3A_1055, %jit3A_1052 : i32
      %rem3A_1057 = vector.broadcast %select_n3A_1056 : i32 to vector<16x160xi32>
      %rem3A_1058 = arith.remsi %iota3A_1051, %rem3A_1057 : vector<16x160xi32>
      %ne3A_1059 = arith.constant 0 : i32
      %ne3A_1060 = vector.broadcast %ne3A_1059 : i32 to vector<16x160xi32>
      %ne3A_1061 = arith.cmpi ne, %rem3A_1058, %ne3A_1060 : vector<16x160xi32>
      %lt3A = arith.constant 0 : i32
      %lt3A_1062 = vector.broadcast %lt3A : i32 to vector<16x160xi32>
      %lt3A_1063 = arith.cmpi slt, %rem3A_1058, %lt3A_1062 : vector<16x160xi32>
      %lt3A_1064 = arith.constant 0 : i32
      %lt3A_1065 = arith.cmpi slt, %select_n3A_1056, %lt3A_1064 : i32
      %ne3A_1066 = vector.broadcast %lt3A_1065 : i1 to vector<16x160xi1>
      %ne3A_1067 = vector.broadcast %ne3A_1066 : vector<16x160xi1> to vector<16x160xi1>
      %ne3A_1068 = arith.xori %lt3A_1063, %ne3A_1067 : vector<16x160xi1>
      %and3A_1069 = arith.andi %ne3A_1068, %ne3A_1061 : vector<16x160xi1>
      %add3A_1070 = vector.broadcast %select_n3A_1056 : i32 to vector<16x160xi32>
      %add3A_1071 = arith.addi %rem3A_1058, %add3A_1070 : vector<16x160xi32>
      %select_n3A_1072 = arith.select %and3A_1069, %add3A_1071, %rem3A_1058 : vector<16x160xi1>, vector<16x160xi32>
      %iota3A_1073 = tpu.iota {dimensions = array<i32: 0>} : vector<16x160xi32>
      %eq3A_1074 = arith.cmpi eq, %select_n3A_1072, %iota3A_1073 : vector<16x160xi32>
      %convert_element_type3A_1075 = arith.extui %eq3A_1074 : vector<16x160xi1> to vector<16x160xi32>
      %convert_element_type3A_1076 = arith.sitofp %convert_element_type3A_1075 : vector<16x160xi32> to vector<16x160xf32>
      %swap3A_1077 = arith.constant 0 : index
      %swap3A_1078 = arith.constant 0 : index
      %swap3A_1079 = vector.load %arg32[%swap3A_1077, %swap3A_1078] : memref<16x160xf32, #tpu.memory_space<vmem>>, vector<16x160xf32>
      tpu.vector_store %arg32[%swap3A_1077, %swap3A_1078], %convert_element_type3A_1076 {strides = array<i32>} : memref<16x160xf32, #tpu.memory_space<vmem>>, vector<16x160xf32>,
      %get3A_1080 = arith.constant 0 : index
      %get3A_1081 = arith.constant 0 : index
      %get3A_1082 = vector.load %arg13[%get3A_1080, %get3A_1081] : memref<100x160xf32, #tpu.memory_space<vmem>>, vector<100x160xf32>
      %dot_general3A_1083 = arith.constant dense<0.000000e+00> : vector<100x10xf32>
      %dot_general3A_1084 = tpu.matmul %get3A_1082, %convert_element_type3A_1011, %dot_general3A_1083 {dimension_numbers = #tpu.dot_dimension_numbers<[1], [0], [0], [1], [0, 0, 1, 1], [], []>, transpose_lhs_hint = false} : vector<100x160xf32>, vector<160x10xf32>, vector<100x10xf32> -> vector<100x10xf32>
      %mul3A_1085 = arith.constant 6.250000e-02 : f32
      %mul3A_1086 = vector.broadcast %mul3A_1085 : f32 to vector<100x10xf32>
      %mul3A_1087 = arith.mulf %dot_general3A_1084, %mul3A_1086 : vector<100x10xf32>
      %swap3A_1088 = arith.constant 0 : index
      %swap3A_1089 = arith.constant 0 : index
      %swap3A_1090 = vector.load %arg29[%swap3A_1088, %swap3A_1089] : memref<100x10xf32, #tpu.memory_space<vmem>>, vector<100x10xf32>
      tpu.vector_store %arg29[%swap3A_1088, %swap3A_1089], %mul3A_1087 {strides = array<i32>} : memref<100x10xf32, #tpu.memory_space<vmem>>, vector<100x10xf32>,
      %get3A_1091 = arith.constant 0 : index
      %get3A_1092 = arith.constant 0 : index
      %get3A_1093 = vector.load %arg19[%get3A_1091, %get3A_1092] : memref<1x160xf32, #tpu.memory_space<vmem>>, vector<1x160xf32>
      %dot_general3A_1094 = arith.constant dense<0.000000e+00> : vector<1x10xf32>
      %dot_general3A_1095 = tpu.matmul %get3A_1093, %convert_element_type3A_1011, %dot_general3A_1094 {dimension_numbers = #tpu.dot_dimension_numbers<[1], [0], [0], [1], [0, 0, 1, 1], [], []>, transpose_lhs_hint = false} : vector<1x160xf32>, vector<160x10xf32>, vector<1x10xf32> -> vector<1x10xf32>
      %mul3A_1096 = arith.constant 6.250000e-02 : f32
      %mul3A_1097 = vector.broadcast %mul3A_1096 : f32 to vector<1x10xf32>
      %mul3A_1098 = arith.mulf %dot_general3A_1095, %mul3A_1097 : vector<1x10xf32>
      %swap3A_1099 = arith.constant 0 : index
      %swap3A_1100 = arith.constant 0 : index
      %swap3A_1101 = vector.load %arg30[%swap3A_1099, %swap3A_1100] : memref<1x10xf32, #tpu.memory_space<vmem>>, vector<1x10xf32>
      tpu.vector_store %arg30[%swap3A_1099, %swap3A_1100], %mul3A_1098 {strides = array<i32>} : memref<1x10xf32, #tpu.memory_space<vmem>>, vector<1x10xf32>,
      %get3A_1102 = arith.constant 0 : index
      %get3A_1103 = arith.constant 0 : index
      %get3A_1104 = vector.load %arg15[%get3A_1102, %get3A_1103] : memref<1x160xf32, #tpu.memory_space<vmem>>, vector<1x160xf32>
      %mul3A_1105 = vector.broadcast %get3A_1104 : vector<1x160xf32> to vector<16x160xf32>
      %mul3A_1106 = arith.mulf %convert_element_type3A_1076, %mul3A_1105 : vector<16x160xf32>
      %dot_general3A_1107 = arith.constant dense<0.000000e+00> : vector<16x10xf32>
      %dot_general3A_1108 = tpu.matmul %mul3A_1106, %convert_element_type3A_1011, %dot_general3A_1107 {dimension_numbers = #tpu.dot_dimension_numbers<[1], [0], [0], [1], [0, 0, 1, 1], [], []>, transpose_lhs_hint = false} : vector<16x160xf32>, vector<160x10xf32>, vector<16x10xf32> -> vector<16x10xf32>
      %mul3A_1109 = arith.constant 2.500000e-01 : f32
      %mul3A_1110 = vector.broadcast %mul3A_1109 : f32 to vector<16x10xf32>
      %mul3A_1111 = arith.mulf %dot_general3A_1108, %mul3A_1110 : vector<16x10xf32>
      %swap3A_1112 = arith.constant 0 : index
      %swap3A_1113 = arith.constant 0 : index
      %swap3A_1114 = vector.load %arg33[%swap3A_1112, %swap3A_1113] : memref<16x10xf32, #tpu.memory_space<vmem>>, vector<16x10xf32>
      tpu.vector_store %arg33[%swap3A_1112, %swap3A_1113], %mul3A_1111 {strides = array<i32>} : memref<16x10xf32, #tpu.memory_space<vmem>>, vector<16x10xf32>,
      %mul3A_1115 = arith.constant 2.500000e-01 : f32
      %mul3A_1116 = vector.broadcast %mul3A_1115 : f32 to vector<160x10xf32>
      %mul3A_1117 = arith.mulf %convert_element_type3A_1011, %mul3A_1116 : vector<160x10xf32>
      %swap3A_1118 = arith.constant 0 : index
      %swap3A_1119 = arith.constant 0 : index
      %swap3A_1120 = vector.load %arg27[%swap3A_1118, %swap3A_1119] : memref<160x10xf32, #tpu.memory_space<vmem>>, vector<160x10xf32>
      tpu.vector_store %arg27[%swap3A_1118, %swap3A_1119], %mul3A_1117 {strides = array<i32>} : memref<160x10xf32, #tpu.memory_space<vmem>>, vector<160x10xf32>,
      %get3A_1121 = arith.constant 0 : index
      %get3A_1122 = arith.constant 0 : index
      %get3A_1123 = vector.load %arg5[%get3A_1121, %get3A_1122] : memref<1x16xf32, #tpu.memory_space<vmem>>, vector<1x16xf32>
      %get3A_1124 = arith.constant 0 : index
      %get3A_1125 = arith.constant 0 : index
      %get3A_1126 = vector.load %arg12[%get3A_1124, %get3A_1125] : memref<16x160xf32, #tpu.memory_space<vmem>>, vector<16x160xf32>
      %dot_general3A_1127 = arith.constant dense<0.000000e+00> : vector<1x160xf32>
      %dot_general3A_1128 = tpu.matmul %get3A_1123, %get3A_1126, %dot_general3A_1127 {dimension_numbers = #tpu.dot_dimension_numbers<[1], [0], [0], [1], [0, 0, 1, 1], [], []>, transpose_lhs_hint = false} : vector<1x16xf32>, vector<16x160xf32>, vector<1x160xf32> -> vector<1x160xf32>
      %get3A_1129 = arith.constant 0 : index
      %get3A_1130 = arith.constant 0 : index
      %get3A_1131 = vector.load %arg18[%get3A_1129, %get3A_1130] : memref<1x160xf32, #tpu.memory_space<vmem>>, vector<1x160xf32>
      %add3A_1132 = arith.addf %dot_general3A_1128, %get3A_1131 : vector<1x160xf32>
      %get3A_1133 = arith.constant 0 : index
      %get3A_1134 = arith.constant 0 : index
      %get3A_1135 = vector.load %arg10[%get3A_1133, %get3A_1134] : memref<160x160xf32, #tpu.memory_space<vmem>>, vector<160x160xf32>
      %dot_general3A_1136 = arith.constant dense<0.000000e+00> : vector<1x160xf32>
      %dot_general3A_1137 = tpu.matmul %add3A_1132, %get3A_1135, %dot_general3A_1136 {dimension_numbers = #tpu.dot_dimension_numbers<[1], [0], [0], [1], [0, 0, 1, 1], [], []>, transpose_lhs_hint = false} : vector<1x160xf32>, vector<160x160xf32>, vector<1x160xf32> -> vector<1x160xf32>
      %get3A_1138 = arith.constant 0 : index
      %get3A_1139 = arith.constant 0 : index
      %get3A_1140 = vector.load %arg17[%get3A_1138, %get3A_1139] : memref<1x160xf32, #tpu.memory_space<vmem>>, vector<1x160xf32>
      %add3A_1141 = arith.addf %dot_general3A_1137, %get3A_1140 : vector<1x160xf32>
      %swap3A_1142 = arith.constant 0 : index
      %swap3A_1143 = arith.constant 0 : index
      %swap3A_1144 = vector.load %arg31[%swap3A_1142, %swap3A_1143] : memref<1x160xf32, #tpu.memory_space<vmem>>, vector<1x160xf32>
      tpu.vector_store %arg31[%swap3A_1142, %swap3A_1143], %add3A_1141 {strides = array<i32>} : memref<1x160xf32, #tpu.memory_space<vmem>>, vector<1x160xf32>,
    } else {
    }
    %get3A = arith.constant 0 : index
    %get3A_2 = arith.constant 0 : index
    %get3A_3 = vector.load %arg1[%get3A, %get3A_2] : memref<400x160xf32, #tpu.memory_space<vmem>>, vector<400x160xf32>
    %get3A_4 = arith.constant 0 : index
    %get3A_5 = arith.constant 0 : index
    %get3A_6 = vector.load %arg6[%get3A_4, %get3A_5] : memref<160x160xf32, #tpu.memory_space<vmem>>, vector<160x160xf32>
    %dot_general3A = arith.constant dense<0.000000e+00> : vector<400x160xf32>
    %dot_general3A_7 = tpu.matmul %get3A_3, %get3A_6, %dot_general3A {dimension_numbers = #tpu.dot_dimension_numbers<[1], [0], [0], [1], [0, 0, 1, 1], [], []>, transpose_lhs_hint = false} : vector<400x160xf32>, vector<160x160xf32>, vector<400x160xf32> -> vector<400x160xf32>
    %get3A_8 = arith.constant 0 : index
    %get3A_9 = arith.constant 0 : index
    %get3A_10 = vector.load %arg14[%get3A_8, %get3A_9] : memref<1x160xf32, #tpu.memory_space<vmem>>, vector<1x160xf32>
    %add3A = vector.broadcast %get3A_10 : vector<1x160xf32> to vector<400x160xf32>
    %add3A_11 = arith.addf %dot_general3A_7, %add3A : vector<400x160xf32>
    %get3A_12 = arith.constant 0 : index
    %get3A_13 = arith.constant 0 : index
    %get3A_14 = vector.load %arg27[%get3A_12, %get3A_13] : memref<160x10xf32, #tpu.memory_space<vmem>>, vector<160x10xf32>
    %get3A_15 = arith.constant 0 : index
    %get3A_16 = arith.constant 0 : index
    %get3A_17 = vector.load %arg28[%get3A_15, %get3A_16] : memref<10x160xf32, #tpu.memory_space<vmem>>, vector<10x160xf32>
    %get3A_18 = arith.constant 0 : index
    %get3A_19 = arith.constant 0 : index
    %get3A_20 = vector.load %arg29[%get3A_18, %get3A_19] : memref<100x10xf32, #tpu.memory_space<vmem>>, vector<100x10xf32>
    %get3A_21 = arith.constant 0 : index
    %get3A_22 = arith.constant 0 : index
    %get3A_23 = vector.load %arg30[%get3A_21, %get3A_22] : memref<1x10xf32, #tpu.memory_space<vmem>>, vector<1x10xf32>
    %get3A_24 = arith.constant 0 : index
    %get3A_25 = arith.constant 0 : index
    %get3A_26 = vector.load %arg31[%get3A_24, %get3A_25] : memref<1x160xf32, #tpu.memory_space<vmem>>, vector<1x160xf32>
    %get3A_27 = arith.constant 0 : index
    %get3A_28 = arith.constant 0 : index
    %get3A_29 = vector.load %arg7[%get3A_27, %get3A_28] : memref<160x160xbf16, #tpu.memory_space<vmem>>, vector<160x160xbf16>
    %get3A_30 = arith.constant 0 : index
    %get3A_31 = arith.constant 0 : index
    %get3A_32 = vector.load %arg8[%get3A_30, %get3A_31] : memref<160x160xbf16, #tpu.memory_space<vmem>>, vector<160x160xbf16>
    %get3A_33 = arith.constant 0 : index
    %get3A_34 = arith.constant 0 : index
    %get3A_35 = vector.load %arg16[%get3A_33, %get3A_34] : memref<1x160xf32, #tpu.memory_space<vmem>>, vector<1x160xf32>
    %get3A_36 = arith.constant 0 : index
    %get3A_37 = arith.constant 0 : index
    %get3A_38 = vector.load %arg22[%get3A_36, %get3A_37] : memref<1x100xf32, #tpu.memory_space<vmem>>, vector<1x100xf32>
    %get3A_39 = arith.constant 0 : index
    %get3A_40 = arith.constant 0 : index
    %get3A_41 = vector.load %arg23[%get3A_39, %get3A_40] : memref<1x100xf32, #tpu.memory_space<vmem>>, vector<1x100xf32>
    %get3A_42 = arith.constant 0 : index
    %get3A_43 = arith.constant 0 : index
    %get3A_44 = vector.load %arg33[%get3A_42, %get3A_43] : memref<16x10xf32, #tpu.memory_space<vmem>>, vector<16x10xf32>
    %broadcast_in_dim3A = arith.constant 0xFF800000 : f32
    %broadcast_in_dim3A_45 = vector.broadcast %broadcast_in_dim3A : f32 to vector<400x10xf32>
    %get3A_46 = arith.constant 0 : index
    %get3A_47 = arith.constant 0 : index
    %get3A_48 = arith.constant 0 : index
    %get3A_49 = vector.load %arg2[%get3A_46, %get3A_47, %get3A_48] : memref<10x400x160xf32, #tpu.memory_space<vmem>>, vector<1x400x160xf32>
    %get3A_50 = vector.shape_cast %get3A_49 : vector<1x400x160xf32> to vector<400x160xf32>
    %convert_element_type3A_51 = arith.truncf %get3A_50 : vector<400x160xf32> to vector<400x160xbf16>
    %dot_general3A_52 = arith.constant dense<0.000000e+00> : vector<400x160xf32>
    %dot_general3A_53 = tpu.matmul %convert_element_type3A_51, %get3A_29, %dot_general3A_52 {dimension_numbers = #tpu.dot_dimension_numbers<[1], [0], [0], [1], [0, 0, 1, 1], [], []>, transpose_lhs_hint = false} : vector<400x160xbf16>, vector<160x160xbf16>, vector<400x160xf32> -> vector<400x160xf32>
    %dot_general3A_54 = arith.constant dense<0.000000e+00> : vector<400x160xf32>
    %dot_general3A_55 = tpu.matmul %convert_element_type3A_51, %get3A_32, %dot_general3A_54 {dimension_numbers = #tpu.dot_dimension_numbers<[1], [0], [0], [1], [0, 0, 1, 1], [], []>, transpose_lhs_hint = false} : vector<400x160xbf16>, vector<160x160xbf16>, vector<400x160xf32> -> vector<400x160xf32>
    %swap3A = arith.constant 0 : index
    %swap3A_56 = arith.constant 0 : index
    %swap3A_57 = arith.constant 0 : index
    %swap3A_58 = vector.load %arg25[%swap3A, %swap3A_56, %swap3A_57] : memref<10x400x160xf32, #tpu.memory_space<vmem>>, vector<1x400x160xf32>
    %swap3A_59 = vector.shape_cast %swap3A_58 : vector<1x400x160xf32> to vector<400x160xf32>
    %swap3A_60 = vector.shape_cast %dot_general3A_55 : vector<400x160xf32> to vector<1x400x160xf32>
    tpu.vector_store %arg25[%swap3A, %swap3A_56, %swap3A_57], %swap3A_60 {strides = array<i32>} : memref<10x400x160xf32, #tpu.memory_space<vmem>>, vector<1x400x160xf32>,
    %slice3A = vector.extract_strided_slice %add3A_11 {offsets = [0, 0], sizes = [400, 16], strides = [1, 1]} : vector<400x160xf32> to vector<400x16xf32>
    %concatenate3A = tpu.concatenate %slice3A, %slice3A, %slice3A, %slice3A, %slice3A, %slice3A, %slice3A, %slice3A, %slice3A, %slice3A in 1 : vector<400x16xf32>, vector<400x16xf32>, vector<400x16xf32>, vector<400x16xf32>, vector<400x16xf32>, vector<400x16xf32>, vector<400x16xf32>, vector<400x16xf32>, vector<400x16xf32>, vector<400x16xf32> -> vector<400x160xf32>
    %mul3A = arith.mulf %concatenate3A, %dot_general3A_53 : vector<400x160xf32>
    %dot_general3A_61 = arith.constant dense<0.000000e+00> : vector<400x10xf32>
    %dot_general3A_62 = tpu.matmul %mul3A, %get3A_14, %dot_general3A_61 {dimension_numbers = #tpu.dot_dimension_numbers<[1], [0], [0], [1], [0, 0, 1, 1], [], []>, transpose_lhs_hint = false} : vector<400x160xf32>, vector<160x10xf32>, vector<400x10xf32> -> vector<400x10xf32>
    %dot_general3A_63 = arith.constant dense<0.000000e+00> : vector<400x10xf32>
    %dot_general3A_64 = tpu.matmul %slice3A, %get3A_44, %dot_general3A_63 {dimension_numbers = #tpu.dot_dimension_numbers<[1], [0], [0], [1], [0, 0, 1, 1], [], []>, transpose_lhs_hint = false} : vector<400x16xf32>, vector<16x10xf32>, vector<400x10xf32> -> vector<400x10xf32>
    %add3A_65 = arith.addf %dot_general3A_62, %dot_general3A_64 : vector<400x10xf32>
    %get3A_66 = arith.constant 0 : index
    %get3A_67 = arith.constant 0 : index
    %get3A_68 = vector.load %arg3[%get3A_66, %get3A_67] : memref<400x10xf32, #tpu.memory_space<vmem>>, vector<400x1xf32>
    %mul3A_69 = vector.broadcast %get3A_68 : vector<400x1xf32> to vector<400x100xf32>
    %mul3A_70 = vector.broadcast %get3A_38 : vector<1x100xf32> to vector<400x100xf32>
    %mul3A_71 = arith.mulf %mul3A_69, %mul3A_70 : vector<400x100xf32>
    %add3A_72 = vector.broadcast %get3A_41 : vector<1x100xf32> to vector<400x100xf32>
    %add3A_73 = arith.addf %mul3A_71, %add3A_72 : vector<400x100xf32>
    %mul3A_74 = arith.constant 0.159154937 : f32
    %mul3A_75 = vector.broadcast %mul3A_74 : f32 to vector<400x100xf32>
    %mul3A_76 = arith.mulf %add3A_73, %mul3A_75 : vector<400x100xf32>
    %add3A_77 = arith.constant 5.000000e-01 : f32
    %add3A_78 = vector.broadcast %add3A_77 : f32 to vector<400x100xf32>
    %add3A_79 = arith.addf %mul3A_76, %add3A_78 : vector<400x100xf32>
    %floor3A = math.floor %add3A_79 : vector<400x100xf32>
    %sub3A = arith.subf %mul3A_76, %floor3A : vector<400x100xf32>
    %mul3A_80 = arith.mulf %sub3A, %sub3A : vector<400x100xf32>
    %mul3A_81 = arith.constant 45.6210518 : f32
    %mul3A_82 = vector.broadcast %mul3A_81 : f32 to vector<400x100xf32>
    %mul3A_83 = arith.mulf %mul3A_82, %mul3A_80 : vector<400x100xf32>
    %add3A_84 = arith.constant -82.3908081 : f32
    %add3A_85 = vector.broadcast %add3A_84 : f32 to vector<400x100xf32>
    %add3A_86 = arith.addf %mul3A_83, %add3A_85 : vector<400x100xf32>
    %mul3A_87 = arith.mulf %add3A_86, %mul3A_80 : vector<400x100xf32>
    %add3A_88 = arith.constant 64.6714401 : f32
    %add3A_89 = vector.broadcast %add3A_88 : f32 to vector<400x100xf32>
    %add3A_90 = arith.addf %mul3A_87, %add3A_89 : vector<400x100xf32>
    %mul3A_91 = arith.mulf %add3A_90, %mul3A_80 : vector<400x100xf32>
    %add3A_92 = arith.constant -19.7309418 : f32
    %add3A_93 = vector.broadcast %add3A_92 : f32 to vector<400x100xf32>
    %add3A_94 = arith.addf %mul3A_91, %add3A_93 : vector<400x100xf32>
    %mul3A_95 = arith.mulf %add3A_94, %mul3A_80 : vector<400x100xf32>
    %add3A_96 = arith.constant 0.999958992 : f32
    %add3A_97 = vector.broadcast %add3A_96 : f32 to vector<400x100xf32>
    %add3A_98 = arith.addf %mul3A_95, %add3A_97 : vector<400x100xf32>
    %dot_general3A_99 = arith.constant dense<0.000000e+00> : vector<400x10xf32>
    %dot_general3A_100 = tpu.matmul %add3A_98, %get3A_20, %dot_general3A_99 {dimension_numbers = #tpu.dot_dimension_numbers<[1], [0], [0], [1], [0, 0, 1, 1], [], []>, transpose_lhs_hint = false} : vector<400x100xf32>, vector<100x10xf32>, vector<400x10xf32> -> vector<400x10xf32>
    %add3A_101 = arith.addf %add3A_65, %dot_general3A_100 : vector<400x10xf32>
    %add3A_102 = vector.broadcast %get3A_23 : vector<1x10xf32> to vector<400x10xf32>
    %add3A_103 = arith.addf %add3A_101, %add3A_102 : vector<400x10xf32>
    %swap3A_104 = arith.constant 0 : index
    %swap3A_105 = arith.constant 0 : index
    %swap3A_106 = arith.constant 0 : index
    %swap3A_107 = vector.load %arg26[%swap3A_104, %swap3A_105, %swap3A_106] : memref<10x400x10xf32, #tpu.memory_space<vmem>>, vector<1x400x10xf32>
    %swap3A_108 = vector.shape_cast %swap3A_107 : vector<1x400x10xf32> to vector<400x10xf32>
    %swap3A_109 = vector.shape_cast %add3A_103 : vector<400x10xf32> to vector<1x400x10xf32>
    tpu.vector_store %arg26[%swap3A_104, %swap3A_105, %swap3A_106], %swap3A_109 {strides = array<i32>} : memref<10x400x10xf32, #tpu.memory_space<vmem>>, vector<1x400x10xf32>,
    %max3A = arith.maximumf %broadcast_in_dim3A_45, %add3A_103 : vector<400x10xf32>
    %get3A_110 = arith.constant 1 : index
    %get3A_111 = arith.constant 0 : index
    %get3A_112 = arith.constant 0 : index
    %get3A_113 = vector.load %arg2[%get3A_110, %get3A_111, %get3A_112] : memref<10x400x160xf32, #tpu.memory_space<vmem>>, vector<1x400x160xf32>
    %get3A_114 = vector.shape_cast %get3A_113 : vector<1x400x160xf32> to vector<400x160xf32>
    %convert_element_type3A_115 = arith.truncf %get3A_114 : vector<400x160xf32> to vector<400x160xbf16>
    %dot_general3A_116 = arith.constant dense<0.000000e+00> : vector<400x160xf32>
    %dot_general3A_117 = tpu.matmul %convert_element_type3A_115, %get3A_29, %dot_general3A_116 {dimension_numbers = #tpu.dot_dimension_numbers<[1], [0], [0], [1], [0, 0, 1, 1], [], []>, transpose_lhs_hint = false} : vector<400x160xbf16>, vector<160x160xbf16>, vector<400x160xf32> -> vector<400x160xf32>
    %dot_general3A_118 = arith.constant dense<0.000000e+00> : vector<400x160xf32>
    %dot_general3A_119 = tpu.matmul %convert_element_type3A_115, %get3A_32, %dot_general3A_118 {dimension_numbers = #tpu.dot_dimension_numbers<[1], [0], [0], [1], [0, 0, 1, 1], [], []>, transpose_lhs_hint = false} : vector<400x160xbf16>, vector<160x160xbf16>, vector<400x160xf32> -> vector<400x160xf32>
    %swap3A_120 = arith.constant 1 : index
    %swap3A_121 = arith.constant 0 : index
    %swap3A_122 = arith.constant 0 : index
    %swap3A_123 = vector.load %arg25[%swap3A_120, %swap3A_121, %swap3A_122] : memref<10x400x160xf32, #tpu.memory_space<vmem>>, vector<1x400x160xf32>
    %swap3A_124 = vector.shape_cast %swap3A_123 : vector<1x400x160xf32> to vector<400x160xf32>
    %swap3A_125 = vector.shape_cast %dot_general3A_119 : vector<400x160xf32> to vector<1x400x160xf32>
    tpu.vector_store %arg25[%swap3A_120, %swap3A_121, %swap3A_122], %swap3A_125 {strides = array<i32>} : memref<10x400x160xf32, #tpu.memory_space<vmem>>, vector<1x400x160xf32>,
    %slice3A_126 = vector.extract_strided_slice %add3A_11 {offsets = [0, 16], sizes = [400, 16], strides = [1, 1]} : vector<400x160xf32> to vector<400x16xf32>
    %concatenate3A_127 = tpu.concatenate %slice3A_126, %slice3A_126, %slice3A_126, %slice3A_126, %slice3A_126, %slice3A_126, %slice3A_126, %slice3A_126, %slice3A_126, %slice3A_126 in 1 : vector<400x16xf32>, vector<400x16xf32>, vector<400x16xf32>, vector<400x16xf32>, vector<400x16xf32>, vector<400x16xf32>, vector<400x16xf32>, vector<400x16xf32>, vector<400x16xf32>, vector<400x16xf32> -> vector<400x160xf32>
    %mul3A_128 = arith.mulf %concatenate3A_127, %dot_general3A_117 : vector<400x160xf32>
    %dot_general3A_129 = arith.constant dense<0.000000e+00> : vector<400x10xf32>
    %dot_general3A_130 = tpu.matmul %mul3A_128, %get3A_14, %dot_general3A_129 {dimension_numbers = #tpu.dot_dimension_numbers<[1], [0], [0], [1], [0, 0, 1, 1], [], []>, transpose_lhs_hint = false} : vector<400x160xf32>, vector<160x10xf32>, vector<400x10xf32> -> vector<400x10xf32>
    %dot_general3A_131 = arith.constant dense<0.000000e+00> : vector<400x10xf32>
    %dot_general3A_132 = tpu.matmul %slice3A_126, %get3A_44, %dot_general3A_131 {dimension_numbers = #tpu.dot_dimension_numbers<[1], [0], [0], [1], [0, 0, 1, 1], [], []>, transpose_lhs_hint = false} : vector<400x16xf32>, vector<16x10xf32>, vector<400x10xf32> -> vector<400x10xf32>
    %add3A_133 = arith.addf %dot_general3A_130, %dot_general3A_132 : vector<400x10xf32>
    %get3A_134 = arith.constant 0 : index
    %get3A_135 = arith.constant 1 : index
    %get3A_136 = vector.load %arg3[%get3A_134, %get3A_135] : memref<400x10xf32, #tpu.memory_space<vmem>>, vector<400x1xf32>
    %mul3A_137 = vector.broadcast %get3A_136 : vector<400x1xf32> to vector<400x100xf32>
    %mul3A_138 = vector.broadcast %get3A_38 : vector<1x100xf32> to vector<400x100xf32>
    %mul3A_139 = arith.mulf %mul3A_137, %mul3A_138 : vector<400x100xf32>
    %add3A_140 = vector.broadcast %get3A_41 : vector<1x100xf32> to vector<400x100xf32>
    %add3A_141 = arith.addf %mul3A_139, %add3A_140 : vector<400x100xf32>
    %mul3A_142 = arith.constant 0.159154937 : f32
    %mul3A_143 = vector.broadcast %mul3A_142 : f32 to vector<400x100xf32>
    %mul3A_144 = arith.mulf %add3A_141, %mul3A_143 : vector<400x100xf32>
    %add3A_145 = arith.constant 5.000000e-01 : f32
    %add3A_146 = vector.broadcast %add3A_145 : f32 to vector<400x100xf32>
    %add3A_147 = arith.addf %mul3A_144, %add3A_146 : vector<400x100xf32>
    %floor3A_148 = math.floor %add3A_147 : vector<400x100xf32>
    %sub3A_149 = arith.subf %mul3A_144, %floor3A_148 : vector<400x100xf32>
    %mul3A_150 = arith.mulf %sub3A_149, %sub3A_149 : vector<400x100xf32>
    %mul3A_151 = arith.constant 45.6210518 : f32
    %mul3A_152 = vector.broadcast %mul3A_151 : f32 to vector<400x100xf32>
    %mul3A_153 = arith.mulf %mul3A_152, %mul3A_150 : vector<400x100xf32>
    %add3A_154 = arith.constant -82.3908081 : f32
    %add3A_155 = vector.broadcast %add3A_154 : f32 to vector<400x100xf32>
    %add3A_156 = arith.addf %mul3A_153, %add3A_155 : vector<400x100xf32>
    %mul3A_157 = arith.mulf %add3A_156, %mul3A_150 : vector<400x100xf32>
    %add3A_158 = arith.constant 64.6714401 : f32
    %add3A_159 = vector.broadcast %add3A_158 : f32 to vector<400x100xf32>
    %add3A_160 = arith.addf %mul3A_157, %add3A_159 : vector<400x100xf32>
    %mul3A_161 = arith.mulf %add3A_160, %mul3A_150 : vector<400x100xf32>
    %add3A_162 = arith.constant -19.7309418 : f32
    %add3A_163 = vector.broadcast %add3A_162 : f32 to vector<400x100xf32>
    %add3A_164 = arith.addf %mul3A_161, %add3A_163 : vector<400x100xf32>
    %mul3A_165 = arith.mulf %add3A_164, %mul3A_150 : vector<400x100xf32>
    %add3A_166 = arith.constant 0.999958992 : f32
    %add3A_167 = vector.broadcast %add3A_166 : f32 to vector<400x100xf32>
    %add3A_168 = arith.addf %mul3A_165, %add3A_167 : vector<400x100xf32>
    %dot_general3A_169 = arith.constant dense<0.000000e+00> : vector<400x10xf32>
    %dot_general3A_170 = tpu.matmul %add3A_168, %get3A_20, %dot_general3A_169 {dimension_numbers = #tpu.dot_dimension_numbers<[1], [0], [0], [1], [0, 0, 1, 1], [], []>, transpose_lhs_hint = false} : vector<400x100xf32>, vector<100x10xf32>, vector<400x10xf32> -> vector<400x10xf32>
    %add3A_171 = arith.addf %add3A_133, %dot_general3A_170 : vector<400x10xf32>
    %add3A_172 = vector.broadcast %get3A_23 : vector<1x10xf32> to vector<400x10xf32>
    %add3A_173 = arith.addf %add3A_171, %add3A_172 : vector<400x10xf32>
    %swap3A_174 = arith.constant 1 : index
    %swap3A_175 = arith.constant 0 : index
    %swap3A_176 = arith.constant 0 : index
    %swap3A_177 = vector.load %arg26[%swap3A_174, %swap3A_175, %swap3A_176] : memref<10x400x10xf32, #tpu.memory_space<vmem>>, vector<1x400x10xf32>
    %swap3A_178 = vector.shape_cast %swap3A_177 : vector<1x400x10xf32> to vector<400x10xf32>
    %swap3A_179 = vector.shape_cast %add3A_173 : vector<400x10xf32> to vector<1x400x10xf32>
    tpu.vector_store %arg26[%swap3A_174, %swap3A_175, %swap3A_176], %swap3A_179 {strides = array<i32>} : memref<10x400x10xf32, #tpu.memory_space<vmem>>, vector<1x400x10xf32>,
    %max3A_180 = arith.maximumf %max3A, %add3A_173 : vector<400x10xf32>
    %get3A_181 = arith.constant 2 : index
    %get3A_182 = arith.constant 0 : index
    %get3A_183 = arith.constant 0 : index
    %get3A_184 = vector.load %arg2[%get3A_181, %get3A_182, %get3A_183] : memref<10x400x160xf32, #tpu.memory_space<vmem>>, vector<1x400x160xf32>
    %get3A_185 = vector.shape_cast %get3A_184 : vector<1x400x160xf32> to vector<400x160xf32>
    %convert_element_type3A_186 = arith.truncf %get3A_185 : vector<400x160xf32> to vector<400x160xbf16>
    %dot_general3A_187 = arith.constant dense<0.000000e+00> : vector<400x160xf32>
    %dot_general3A_188 = tpu.matmul %convert_element_type3A_186, %get3A_29, %dot_general3A_187 {dimension_numbers = #tpu.dot_dimension_numbers<[1], [0], [0], [1], [0, 0, 1, 1], [], []>, transpose_lhs_hint = false} : vector<400x160xbf16>, vector<160x160xbf16>, vector<400x160xf32> -> vector<400x160xf32>
    %dot_general3A_189 = arith.constant dense<0.000000e+00> : vector<400x160xf32>
    %dot_general3A_190 = tpu.matmul %convert_element_type3A_186, %get3A_32, %dot_general3A_189 {dimension_numbers = #tpu.dot_dimension_numbers<[1], [0], [0], [1], [0, 0, 1, 1], [], []>, transpose_lhs_hint = false} : vector<400x160xbf16>, vector<160x160xbf16>, vector<400x160xf32> -> vector<400x160xf32>
    %swap3A_191 = arith.constant 2 : index
    %swap3A_192 = arith.constant 0 : index
    %swap3A_193 = arith.constant 0 : index
    %swap3A_194 = vector.load %arg25[%swap3A_191, %swap3A_192, %swap3A_193] : memref<10x400x160xf32, #tpu.memory_space<vmem>>, vector<1x400x160xf32>
    %swap3A_195 = vector.shape_cast %swap3A_194 : vector<1x400x160xf32> to vector<400x160xf32>
    %swap3A_196 = vector.shape_cast %dot_general3A_190 : vector<400x160xf32> to vector<1x400x160xf32>
    tpu.vector_store %arg25[%swap3A_191, %swap3A_192, %swap3A_193], %swap3A_196 {strides = array<i32>} : memref<10x400x160xf32, #tpu.memory_space<vmem>>, vector<1x400x160xf32>,
    %slice3A_197 = vector.extract_strided_slice %add3A_11 {offsets = [0, 32], sizes = [400, 16], strides = [1, 1]} : vector<400x160xf32> to vector<400x16xf32>
    %concatenate3A_198 = tpu.concatenate %slice3A_197, %slice3A_197, %slice3A_197, %slice3A_197, %slice3A_197, %slice3A_197, %slice3A_197, %slice3A_197, %slice3A_197, %slice3A_197 in 1 : vector<400x16xf32>, vector<400x16xf32>, vector<400x16xf32>, vector<400x16xf32>, vector<400x16xf32>, vector<400x16xf32>, vector<400x16xf32>, vector<400x16xf32>, vector<400x16xf32>, vector<400x16xf32> -> vector<400x160xf32>
    %mul3A_199 = arith.mulf %concatenate3A_198, %dot_general3A_188 : vector<400x160xf32>
    %dot_general3A_200 = arith.constant dense<0.000000e+00> : vector<400x10xf32>
    %dot_general3A_201 = tpu.matmul %mul3A_199, %get3A_14, %dot_general3A_200 {dimension_numbers = #tpu.dot_dimension_numbers<[1], [0], [0], [1], [0, 0, 1, 1], [], []>, transpose_lhs_hint = false} : vector<400x160xf32>, vector<160x10xf32>, vector<400x10xf32> -> vector<400x10xf32>
    %dot_general3A_202 = arith.constant dense<0.000000e+00> : vector<400x10xf32>
    %dot_general3A_203 = tpu.matmul %slice3A_197, %get3A_44, %dot_general3A_202 {dimension_numbers = #tpu.dot_dimension_numbers<[1], [0], [0], [1], [0, 0, 1, 1], [], []>, transpose_lhs_hint = false} : vector<400x16xf32>, vector<16x10xf32>, vector<400x10xf32> -> vector<400x10xf32>
    %add3A_204 = arith.addf %dot_general3A_201, %dot_general3A_203 : vector<400x10xf32>
    %get3A_205 = arith.constant 0 : index
    %get3A_206 = arith.constant 2 : index
    %get3A_207 = vector.load %arg3[%get3A_205, %get3A_206] : memref<400x10xf32, #tpu.memory_space<vmem>>, vector<400x1xf32>
    %mul3A_208 = vector.broadcast %get3A_207 : vector<400x1xf32> to vector<400x100xf32>
    %mul3A_209 = vector.broadcast %get3A_38 : vector<1x100xf32> to vector<400x100xf32>
    %mul3A_210 = arith.mulf %mul3A_208, %mul3A_209 : vector<400x100xf32>
    %add3A_211 = vector.broadcast %get3A_41 : vector<1x100xf32> to vector<400x100xf32>
    %add3A_212 = arith.addf %mul3A_210, %add3A_211 : vector<400x100xf32>
    %mul3A_213 = arith.constant 0.159154937 : f32
    %mul3A_214 = vector.broadcast %mul3A_213 : f32 to vector<400x100xf32>
    %mul3A_215 = arith.mulf %add3A_212, %mul3A_214 : vector<400x100xf32>
    %add3A_216 = arith.constant 5.000000e-01 : f32
    %add3A_217 = vector.broadcast %add3A_216 : f32 to vector<400x100xf32>
    %add3A_218 = arith.addf %mul3A_215, %add3A_217 : vector<400x100xf32>
    %floor3A_219 = math.floor %add3A_218 : vector<400x100xf32>
    %sub3A_220 = arith.subf %mul3A_215, %floor3A_219 : vector<400x100xf32>
    %mul3A_221 = arith.mulf %sub3A_220, %sub3A_220 : vector<400x100xf32>
    %mul3A_222 = arith.constant 45.6210518 : f32
    %mul3A_223 = vector.broadcast %mul3A_222 : f32 to vector<400x100xf32>
    %mul3A_224 = arith.mulf %mul3A_223, %mul3A_221 : vector<400x100xf32>
    %add3A_225 = arith.constant -82.3908081 : f32
    %add3A_226 = vector.broadcast %add3A_225 : f32 to vector<400x100xf32>
    %add3A_227 = arith.addf %mul3A_224, %add3A_226 : vector<400x100xf32>
    %mul3A_228 = arith.mulf %add3A_227, %mul3A_221 : vector<400x100xf32>
    %add3A_229 = arith.constant 64.6714401 : f32
    %add3A_230 = vector.broadcast %add3A_229 : f32 to vector<400x100xf32>
    %add3A_231 = arith.addf %mul3A_228, %add3A_230 : vector<400x100xf32>
    %mul3A_232 = arith.mulf %add3A_231, %mul3A_221 : vector<400x100xf32>
    %add3A_233 = arith.constant -19.7309418 : f32
    %add3A_234 = vector.broadcast %add3A_233 : f32 to vector<400x100xf32>
    %add3A_235 = arith.addf %mul3A_232, %add3A_234 : vector<400x100xf32>
    %mul3A_236 = arith.mulf %add3A_235, %mul3A_221 : vector<400x100xf32>
    %add3A_237 = arith.constant 0.999958992 : f32
    %add3A_238 = vector.broadcast %add3A_237 : f32 to vector<400x100xf32>
    %add3A_239 = arith.addf %mul3A_236, %add3A_238 : vector<400x100xf32>
    %dot_general3A_240 = arith.constant dense<0.000000e+00> : vector<400x10xf32>
    %dot_general3A_241 = tpu.matmul %add3A_239, %get3A_20, %dot_general3A_240 {dimension_numbers = #tpu.dot_dimension_numbers<[1], [0], [0], [1], [0, 0, 1, 1], [], []>, transpose_lhs_hint = false} : vector<400x100xf32>, vector<100x10xf32>, vector<400x10xf32> -> vector<400x10xf32>
    %add3A_242 = arith.addf %add3A_204, %dot_general3A_241 : vector<400x10xf32>
    %add3A_243 = vector.broadcast %get3A_23 : vector<1x10xf32> to vector<400x10xf32>
    %add3A_244 = arith.addf %add3A_242, %add3A_243 : vector<400x10xf32>
    %swap3A_245 = arith.constant 2 : index
    %swap3A_246 = arith.constant 0 : index
    %swap3A_247 = arith.constant 0 : index
    %swap3A_248 = vector.load %arg26[%swap3A_245, %swap3A_246, %swap3A_247] : memref<10x400x10xf32, #tpu.memory_space<vmem>>, vector<1x400x10xf32>
    %swap3A_249 = vector.shape_cast %swap3A_248 : vector<1x400x10xf32> to vector<400x10xf32>
    %swap3A_250 = vector.shape_cast %add3A_244 : vector<400x10xf32> to vector<1x400x10xf32>
    tpu.vector_store %arg26[%swap3A_245, %swap3A_246, %swap3A_247], %swap3A_250 {strides = array<i32>} : memref<10x400x10xf32, #tpu.memory_space<vmem>>, vector<1x400x10xf32>,
    %max3A_251 = arith.maximumf %max3A_180, %add3A_244 : vector<400x10xf32>
    %get3A_252 = arith.constant 3 : index
    %get3A_253 = arith.constant 0 : index
    %get3A_254 = arith.constant 0 : index
    %get3A_255 = vector.load %arg2[%get3A_252, %get3A_253, %get3A_254] : memref<10x400x160xf32, #tpu.memory_space<vmem>>, vector<1x400x160xf32>
    %get3A_256 = vector.shape_cast %get3A_255 : vector<1x400x160xf32> to vector<400x160xf32>
    %convert_element_type3A_257 = arith.truncf %get3A_256 : vector<400x160xf32> to vector<400x160xbf16>
    %dot_general3A_258 = arith.constant dense<0.000000e+00> : vector<400x160xf32>
    %dot_general3A_259 = tpu.matmul %convert_element_type3A_257, %get3A_29, %dot_general3A_258 {dimension_numbers = #tpu.dot_dimension_numbers<[1], [0], [0], [1], [0, 0, 1, 1], [], []>, transpose_lhs_hint = false} : vector<400x160xbf16>, vector<160x160xbf16>, vector<400x160xf32> -> vector<400x160xf32>
    %dot_general3A_260 = arith.constant dense<0.000000e+00> : vector<400x160xf32>
    %dot_general3A_261 = tpu.matmul %convert_element_type3A_257, %get3A_32, %dot_general3A_260 {dimension_numbers = #tpu.dot_dimension_numbers<[1], [0], [0], [1], [0, 0, 1, 1], [], []>, transpose_lhs_hint = false} : vector<400x160xbf16>, vector<160x160xbf16>, vector<400x160xf32> -> vector<400x160xf32>
    %swap3A_262 = arith.constant 3 : index
    %swap3A_263 = arith.constant 0 : index
    %swap3A_264 = arith.constant 0 : index
    %swap3A_265 = vector.load %arg25[%swap3A_262, %swap3A_263, %swap3A_264] : memref<10x400x160xf32, #tpu.memory_space<vmem>>, vector<1x400x160xf32>
    %swap3A_266 = vector.shape_cast %swap3A_265 : vector<1x400x160xf32> to vector<400x160xf32>
    %swap3A_267 = vector.shape_cast %dot_general3A_261 : vector<400x160xf32> to vector<1x400x160xf32>
    tpu.vector_store %arg25[%swap3A_262, %swap3A_263, %swap3A_264], %swap3A_267 {strides = array<i32>} : memref<10x400x160xf32, #tpu.memory_space<vmem>>, vector<1x400x160xf32>,
    %slice3A_268 = vector.extract_strided_slice %add3A_11 {offsets = [0, 48], sizes = [400, 16], strides = [1, 1]} : vector<400x160xf32> to vector<400x16xf32>
    %concatenate3A_269 = tpu.concatenate %slice3A_268, %slice3A_268, %slice3A_268, %slice3A_268, %slice3A_268, %slice3A_268, %slice3A_268, %slice3A_268, %slice3A_268, %slice3A_268 in 1 : vector<400x16xf32>, vector<400x16xf32>, vector<400x16xf32>, vector<400x16xf32>, vector<400x16xf32>, vector<400x16xf32>, vector<400x16xf32>, vector<400x16xf32>, vector<400x16xf32>, vector<400x16xf32> -> vector<400x160xf32>
    %mul3A_270 = arith.mulf %concatenate3A_269, %dot_general3A_259 : vector<400x160xf32>
    %dot_general3A_271 = arith.constant dense<0.000000e+00> : vector<400x10xf32>
    %dot_general3A_272 = tpu.matmul %mul3A_270, %get3A_14, %dot_general3A_271 {dimension_numbers = #tpu.dot_dimension_numbers<[1], [0], [0], [1], [0, 0, 1, 1], [], []>, transpose_lhs_hint = false} : vector<400x160xf32>, vector<160x10xf32>, vector<400x10xf32> -> vector<400x10xf32>
    %dot_general3A_273 = arith.constant dense<0.000000e+00> : vector<400x10xf32>
    %dot_general3A_274 = tpu.matmul %slice3A_268, %get3A_44, %dot_general3A_273 {dimension_numbers = #tpu.dot_dimension_numbers<[1], [0], [0], [1], [0, 0, 1, 1], [], []>, transpose_lhs_hint = false} : vector<400x16xf32>, vector<16x10xf32>, vector<400x10xf32> -> vector<400x10xf32>
    %add3A_275 = arith.addf %dot_general3A_272, %dot_general3A_274 : vector<400x10xf32>
    %get3A_276 = arith.constant 0 : index
    %get3A_277 = arith.constant 3 : index
    %get3A_278 = vector.load %arg3[%get3A_276, %get3A_277] : memref<400x10xf32, #tpu.memory_space<vmem>>, vector<400x1xf32>
    %mul3A_279 = vector.broadcast %get3A_278 : vector<400x1xf32> to vector<400x100xf32>
    %mul3A_280 = vector.broadcast %get3A_38 : vector<1x100xf32> to vector<400x100xf32>
    %mul3A_281 = arith.mulf %mul3A_279, %mul3A_280 : vector<400x100xf32>
    %add3A_282 = vector.broadcast %get3A_41 : vector<1x100xf32> to vector<400x100xf32>
    %add3A_283 = arith.addf %mul3A_281, %add3A_282 : vector<400x100xf32>
    %mul3A_284 = arith.constant 0.159154937 : f32
    %mul3A_285 = vector.broadcast %mul3A_284 : f32 to vector<400x100xf32>
    %mul3A_286 = arith.mulf %add3A_283, %mul3A_285 : vector<400x100xf32>
    %add3A_287 = arith.constant 5.000000e-01 : f32
    %add3A_288 = vector.broadcast %add3A_287 : f32 to vector<400x100xf32>
    %add3A_289 = arith.addf %mul3A_286, %add3A_288 : vector<400x100xf32>
    %floor3A_290 = math.floor %add3A_289 : vector<400x100xf32>
    %sub3A_291 = arith.subf %mul3A_286, %floor3A_290 : vector<400x100xf32>
    %mul3A_292 = arith.mulf %sub3A_291, %sub3A_291 : vector<400x100xf32>
    %mul3A_293 = arith.constant 45.6210518 : f32
    %mul3A_294 = vector.broadcast %mul3A_293 : f32 to vector<400x100xf32>
    %mul3A_295 = arith.mulf %mul3A_294, %mul3A_292 : vector<400x100xf32>
    %add3A_296 = arith.constant -82.3908081 : f32
    %add3A_297 = vector.broadcast %add3A_296 : f32 to vector<400x100xf32>
    %add3A_298 = arith.addf %mul3A_295, %add3A_297 : vector<400x100xf32>
    %mul3A_299 = arith.mulf %add3A_298, %mul3A_292 : vector<400x100xf32>
    %add3A_300 = arith.constant 64.6714401 : f32
    %add3A_301 = vector.broadcast %add3A_300 : f32 to vector<400x100xf32>
    %add3A_302 = arith.addf %mul3A_299, %add3A_301 : vector<400x100xf32>
    %mul3A_303 = arith.mulf %add3A_302, %mul3A_292 : vector<400x100xf32>
    %add3A_304 = arith.constant -19.7309418 : f32
    %add3A_305 = vector.broadcast %add3A_304 : f32 to vector<400x100xf32>
    %add3A_306 = arith.addf %mul3A_303, %add3A_305 : vector<400x100xf32>
    %mul3A_307 = arith.mulf %add3A_306, %mul3A_292 : vector<400x100xf32>
    %add3A_308 = arith.constant 0.999958992 : f32
    %add3A_309 = vector.broadcast %add3A_308 : f32 to vector<400x100xf32>
    %add3A_310 = arith.addf %mul3A_307, %add3A_309 : vector<400x100xf32>
    %dot_general3A_311 = arith.constant dense<0.000000e+00> : vector<400x10xf32>
    %dot_general3A_312 = tpu.matmul %add3A_310, %get3A_20, %dot_general3A_311 {dimension_numbers = #tpu.dot_dimension_numbers<[1], [0], [0], [1], [0, 0, 1, 1], [], []>, transpose_lhs_hint = false} : vector<400x100xf32>, vector<100x10xf32>, vector<400x10xf32> -> vector<400x10xf32>
    %add3A_313 = arith.addf %add3A_275, %dot_general3A_312 : vector<400x10xf32>
    %add3A_314 = vector.broadcast %get3A_23 : vector<1x10xf32> to vector<400x10xf32>
    %add3A_315 = arith.addf %add3A_313, %add3A_314 : vector<400x10xf32>
    %swap3A_316 = arith.constant 3 : index
    %swap3A_317 = arith.constant 0 : index
    %swap3A_318 = arith.constant 0 : index
    %swap3A_319 = vector.load %arg26[%swap3A_316, %swap3A_317, %swap3A_318] : memref<10x400x10xf32, #tpu.memory_space<vmem>>, vector<1x400x10xf32>
    %swap3A_320 = vector.shape_cast %swap3A_319 : vector<1x400x10xf32> to vector<400x10xf32>
    %swap3A_321 = vector.shape_cast %add3A_315 : vector<400x10xf32> to vector<1x400x10xf32>
    tpu.vector_store %arg26[%swap3A_316, %swap3A_317, %swap3A_318], %swap3A_321 {strides = array<i32>} : memref<10x400x10xf32, #tpu.memory_space<vmem>>, vector<1x400x10xf32>,
    %max3A_322 = arith.maximumf %max3A_251, %add3A_315 : vector<400x10xf32>
    %get3A_323 = arith.constant 4 : index
    %get3A_324 = arith.constant 0 : index
    %get3A_325 = arith.constant 0 : index
    %get3A_326 = vector.load %arg2[%get3A_323, %get3A_324, %get3A_325] : memref<10x400x160xf32, #tpu.memory_space<vmem>>, vector<1x400x160xf32>
    %get3A_327 = vector.shape_cast %get3A_326 : vector<1x400x160xf32> to vector<400x160xf32>
    %convert_element_type3A_328 = arith.truncf %get3A_327 : vector<400x160xf32> to vector<400x160xbf16>
    %dot_general3A_329 = arith.constant dense<0.000000e+00> : vector<400x160xf32>
    %dot_general3A_330 = tpu.matmul %convert_element_type3A_328, %get3A_29, %dot_general3A_329 {dimension_numbers = #tpu.dot_dimension_numbers<[1], [0], [0], [1], [0, 0, 1, 1], [], []>, transpose_lhs_hint = false} : vector<400x160xbf16>, vector<160x160xbf16>, vector<400x160xf32> -> vector<400x160xf32>
    %dot_general3A_331 = arith.constant dense<0.000000e+00> : vector<400x160xf32>
    %dot_general3A_332 = tpu.matmul %convert_element_type3A_328, %get3A_32, %dot_general3A_331 {dimension_numbers = #tpu.dot_dimension_numbers<[1], [0], [0], [1], [0, 0, 1, 1], [], []>, transpose_lhs_hint = false} : vector<400x160xbf16>, vector<160x160xbf16>, vector<400x160xf32> -> vector<400x160xf32>
    %swap3A_333 = arith.constant 4 : index
    %swap3A_334 = arith.constant 0 : index
    %swap3A_335 = arith.constant 0 : index
    %swap3A_336 = vector.load %arg25[%swap3A_333, %swap3A_334, %swap3A_335] : memref<10x400x160xf32, #tpu.memory_space<vmem>>, vector<1x400x160xf32>
    %swap3A_337 = vector.shape_cast %swap3A_336 : vector<1x400x160xf32> to vector<400x160xf32>
    %swap3A_338 = vector.shape_cast %dot_general3A_332 : vector<400x160xf32> to vector<1x400x160xf32>
    tpu.vector_store %arg25[%swap3A_333, %swap3A_334, %swap3A_335], %swap3A_338 {strides = array<i32>} : memref<10x400x160xf32, #tpu.memory_space<vmem>>, vector<1x400x160xf32>,
    %slice3A_339 = vector.extract_strided_slice %add3A_11 {offsets = [0, 64], sizes = [400, 16], strides = [1, 1]} : vector<400x160xf32> to vector<400x16xf32>
    %concatenate3A_340 = tpu.concatenate %slice3A_339, %slice3A_339, %slice3A_339, %slice3A_339, %slice3A_339, %slice3A_339, %slice3A_339, %slice3A_339, %slice3A_339, %slice3A_339 in 1 : vector<400x16xf32>, vector<400x16xf32>, vector<400x16xf32>, vector<400x16xf32>, vector<400x16xf32>, vector<400x16xf32>, vector<400x16xf32>, vector<400x16xf32>, vector<400x16xf32>, vector<400x16xf32> -> vector<400x160xf32>
    %mul3A_341 = arith.mulf %concatenate3A_340, %dot_general3A_330 : vector<400x160xf32>
    %dot_general3A_342 = arith.constant dense<0.000000e+00> : vector<400x10xf32>
    %dot_general3A_343 = tpu.matmul %mul3A_341, %get3A_14, %dot_general3A_342 {dimension_numbers = #tpu.dot_dimension_numbers<[1], [0], [0], [1], [0, 0, 1, 1], [], []>, transpose_lhs_hint = false} : vector<400x160xf32>, vector<160x10xf32>, vector<400x10xf32> -> vector<400x10xf32>
    %dot_general3A_344 = arith.constant dense<0.000000e+00> : vector<400x10xf32>
    %dot_general3A_345 = tpu.matmul %slice3A_339, %get3A_44, %dot_general3A_344 {dimension_numbers = #tpu.dot_dimension_numbers<[1], [0], [0], [1], [0, 0, 1, 1], [], []>, transpose_lhs_hint = false} : vector<400x16xf32>, vector<16x10xf32>, vector<400x10xf32> -> vector<400x10xf32>
    %add3A_346 = arith.addf %dot_general3A_343, %dot_general3A_345 : vector<400x10xf32>
    %get3A_347 = arith.constant 0 : index
    %get3A_348 = arith.constant 4 : index
    %get3A_349 = vector.load %arg3[%get3A_347, %get3A_348] : memref<400x10xf32, #tpu.memory_space<vmem>>, vector<400x1xf32>
    %mul3A_350 = vector.broadcast %get3A_349 : vector<400x1xf32> to vector<400x100xf32>
    %mul3A_351 = vector.broadcast %get3A_38 : vector<1x100xf32> to vector<400x100xf32>
    %mul3A_352 = arith.mulf %mul3A_350, %mul3A_351 : vector<400x100xf32>
    %add3A_353 = vector.broadcast %get3A_41 : vector<1x100xf32> to vector<400x100xf32>
    %add3A_354 = arith.addf %mul3A_352, %add3A_353 : vector<400x100xf32>
    %mul3A_355 = arith.constant 0.159154937 : f32
    %mul3A_356 = vector.broadcast %mul3A_355 : f32 to vector<400x100xf32>
    %mul3A_357 = arith.mulf %add3A_354, %mul3A_356 : vector<400x100xf32>
    %add3A_358 = arith.constant 5.000000e-01 : f32
    %add3A_359 = vector.broadcast %add3A_358 : f32 to vector<400x100xf32>
    %add3A_360 = arith.addf %mul3A_357, %add3A_359 : vector<400x100xf32>
    %floor3A_361 = math.floor %add3A_360 : vector<400x100xf32>
    %sub3A_362 = arith.subf %mul3A_357, %floor3A_361 : vector<400x100xf32>
    %mul3A_363 = arith.mulf %sub3A_362, %sub3A_362 : vector<400x100xf32>
    %mul3A_364 = arith.constant 45.6210518 : f32
    %mul3A_365 = vector.broadcast %mul3A_364 : f32 to vector<400x100xf32>
    %mul3A_366 = arith.mulf %mul3A_365, %mul3A_363 : vector<400x100xf32>
    %add3A_367 = arith.constant -82.3908081 : f32
    %add3A_368 = vector.broadcast %add3A_367 : f32 to vector<400x100xf32>
    %add3A_369 = arith.addf %mul3A_366, %add3A_368 : vector<400x100xf32>
    %mul3A_370 = arith.mulf %add3A_369, %mul3A_363 : vector<400x100xf32>
    %add3A_371 = arith.constant 64.6714401 : f32
    %add3A_372 = vector.broadcast %add3A_371 : f32 to vector<400x100xf32>
    %add3A_373 = arith.addf %mul3A_370, %add3A_372 : vector<400x100xf32>
    %mul3A_374 = arith.mulf %add3A_373, %mul3A_363 : vector<400x100xf32>
    %add3A_375 = arith.constant -19.7309418 : f32
    %add3A_376 = vector.broadcast %add3A_375 : f32 to vector<400x100xf32>
    %add3A_377 = arith.addf %mul3A_374, %add3A_376 : vector<400x100xf32>
    %mul3A_378 = arith.mulf %add3A_377, %mul3A_363 : vector<400x100xf32>
    %add3A_379 = arith.constant 0.999958992 : f32
    %add3A_380 = vector.broadcast %add3A_379 : f32 to vector<400x100xf32>
    %add3A_381 = arith.addf %mul3A_378, %add3A_380 : vector<400x100xf32>
    %dot_general3A_382 = arith.constant dense<0.000000e+00> : vector<400x10xf32>
    %dot_general3A_383 = tpu.matmul %add3A_381, %get3A_20, %dot_general3A_382 {dimension_numbers = #tpu.dot_dimension_numbers<[1], [0], [0], [1], [0, 0, 1, 1], [], []>, transpose_lhs_hint = false} : vector<400x100xf32>, vector<100x10xf32>, vector<400x10xf32> -> vector<400x10xf32>
    %add3A_384 = arith.addf %add3A_346, %dot_general3A_383 : vector<400x10xf32>
    %add3A_385 = vector.broadcast %get3A_23 : vector<1x10xf32> to vector<400x10xf32>
    %add3A_386 = arith.addf %add3A_384, %add3A_385 : vector<400x10xf32>
    %swap3A_387 = arith.constant 4 : index
    %swap3A_388 = arith.constant 0 : index
    %swap3A_389 = arith.constant 0 : index
    %swap3A_390 = vector.load %arg26[%swap3A_387, %swap3A_388, %swap3A_389] : memref<10x400x10xf32, #tpu.memory_space<vmem>>, vector<1x400x10xf32>
    %swap3A_391 = vector.shape_cast %swap3A_390 : vector<1x400x10xf32> to vector<400x10xf32>
    %swap3A_392 = vector.shape_cast %add3A_386 : vector<400x10xf32> to vector<1x400x10xf32>
    tpu.vector_store %arg26[%swap3A_387, %swap3A_388, %swap3A_389], %swap3A_392 {strides = array<i32>} : memref<10x400x10xf32, #tpu.memory_space<vmem>>, vector<1x400x10xf32>,
    %max3A_393 = arith.maximumf %max3A_322, %add3A_386 : vector<400x10xf32>
    %get3A_394 = arith.constant 5 : index
    %get3A_395 = arith.constant 0 : index
    %get3A_396 = arith.constant 0 : index
    %get3A_397 = vector.load %arg2[%get3A_394, %get3A_395, %get3A_396] : memref<10x400x160xf32, #tpu.memory_space<vmem>>, vector<1x400x160xf32>
    %get3A_398 = vector.shape_cast %get3A_397 : vector<1x400x160xf32> to vector<400x160xf32>
    %convert_element_type3A_399 = arith.truncf %get3A_398 : vector<400x160xf32> to vector<400x160xbf16>
    %dot_general3A_400 = arith.constant dense<0.000000e+00> : vector<400x160xf32>
    %dot_general3A_401 = tpu.matmul %convert_element_type3A_399, %get3A_29, %dot_general3A_400 {dimension_numbers = #tpu.dot_dimension_numbers<[1], [0], [0], [1], [0, 0, 1, 1], [], []>, transpose_lhs_hint = false} : vector<400x160xbf16>, vector<160x160xbf16>, vector<400x160xf32> -> vector<400x160xf32>
    %dot_general3A_402 = arith.constant dense<0.000000e+00> : vector<400x160xf32>
    %dot_general3A_403 = tpu.matmul %convert_element_type3A_399, %get3A_32, %dot_general3A_402 {dimension_numbers = #tpu.dot_dimension_numbers<[1], [0], [0], [1], [0, 0, 1, 1], [], []>, transpose_lhs_hint = false} : vector<400x160xbf16>, vector<160x160xbf16>, vector<400x160xf32> -> vector<400x160xf32>
    %swap3A_404 = arith.constant 5 : index
    %swap3A_405 = arith.constant 0 : index
    %swap3A_406 = arith.constant 0 : index
    %swap3A_407 = vector.load %arg25[%swap3A_404, %swap3A_405, %swap3A_406] : memref<10x400x160xf32, #tpu.memory_space<vmem>>, vector<1x400x160xf32>
    %swap3A_408 = vector.shape_cast %swap3A_407 : vector<1x400x160xf32> to vector<400x160xf32>
    %swap3A_409 = vector.shape_cast %dot_general3A_403 : vector<400x160xf32> to vector<1x400x160xf32>
    tpu.vector_store %arg25[%swap3A_404, %swap3A_405, %swap3A_406], %swap3A_409 {strides = array<i32>} : memref<10x400x160xf32, #tpu.memory_space<vmem>>, vector<1x400x160xf32>,
    %slice3A_410 = vector.extract_strided_slice %add3A_11 {offsets = [0, 80], sizes = [400, 16], strides = [1, 1]} : vector<400x160xf32> to vector<400x16xf32>
    %concatenate3A_411 = tpu.concatenate %slice3A_410, %slice3A_410, %slice3A_410, %slice3A_410, %slice3A_410, %slice3A_410, %slice3A_410, %slice3A_410, %slice3A_410, %slice3A_410 in 1 : vector<400x16xf32>, vector<400x16xf32>, vector<400x16xf32>, vector<400x16xf32>, vector<400x16xf32>, vector<400x16xf32>, vector<400x16xf32>, vector<400x16xf32>, vector<400x16xf32>, vector<400x16xf32> -> vector<400x160xf32>
    %mul3A_412 = arith.mulf %concatenate3A_411, %dot_general3A_401 : vector<400x160xf32>
    %dot_general3A_413 = arith.constant dense<0.000000e+00> : vector<400x10xf32>
    %dot_general3A_414 = tpu.matmul %mul3A_412, %get3A_14, %dot_general3A_413 {dimension_numbers = #tpu.dot_dimension_numbers<[1], [0], [0], [1], [0, 0, 1, 1], [], []>, transpose_lhs_hint = false} : vector<400x160xf32>, vector<160x10xf32>, vector<400x10xf32> -> vector<400x10xf32>
    %dot_general3A_415 = arith.constant dense<0.000000e+00> : vector<400x10xf32>
    %dot_general3A_416 = tpu.matmul %slice3A_410, %get3A_44, %dot_general3A_415 {dimension_numbers = #tpu.dot_dimension_numbers<[1], [0], [0], [1], [0, 0, 1, 1], [], []>, transpose_lhs_hint = false} : vector<400x16xf32>, vector<16x10xf32>, vector<400x10xf32> -> vector<400x10xf32>
    %add3A_417 = arith.addf %dot_general3A_414, %dot_general3A_416 : vector<400x10xf32>
    %get3A_418 = arith.constant 0 : index
    %get3A_419 = arith.constant 5 : index
    %get3A_420 = vector.load %arg3[%get3A_418, %get3A_419] : memref<400x10xf32, #tpu.memory_space<vmem>>, vector<400x1xf32>
    %mul3A_421 = vector.broadcast %get3A_420 : vector<400x1xf32> to vector<400x100xf32>
    %mul3A_422 = vector.broadcast %get3A_38 : vector<1x100xf32> to vector<400x100xf32>
    %mul3A_423 = arith.mulf %mul3A_421, %mul3A_422 : vector<400x100xf32>
    %add3A_424 = vector.broadcast %get3A_41 : vector<1x100xf32> to vector<400x100xf32>
    %add3A_425 = arith.addf %mul3A_423, %add3A_424 : vector<400x100xf32>
    %mul3A_426 = arith.constant 0.159154937 : f32
    %mul3A_427 = vector.broadcast %mul3A_426 : f32 to vector<400x100xf32>
    %mul3A_428 = arith.mulf %add3A_425, %mul3A_427 : vector<400x100xf32>
    %add3A_429 = arith.constant 5.000000e-01 : f32
    %add3A_430 = vector.broadcast %add3A_429 : f32 to vector<400x100xf32>
    %add3A_431 = arith.addf %mul3A_428, %add3A_430 : vector<400x100xf32>
    %floor3A_432 = math.floor %add3A_431 : vector<400x100xf32>
    %sub3A_433 = arith.subf %mul3A_428, %floor3A_432 : vector<400x100xf32>
    %mul3A_434 = arith.mulf %sub3A_433, %sub3A_433 : vector<400x100xf32>
    %mul3A_435 = arith.constant 45.6210518 : f32
    %mul3A_436 = vector.broadcast %mul3A_435 : f32 to vector<400x100xf32>
    %mul3A_437 = arith.mulf %mul3A_436, %mul3A_434 : vector<400x100xf32>
    %add3A_438 = arith.constant -82.3908081 : f32
    %add3A_439 = vector.broadcast %add3A_438 : f32 to vector<400x100xf32>
    %add3A_440 = arith.addf %mul3A_437, %add3A_439 : vector<400x100xf32>
    %mul3A_441 = arith.mulf %add3A_440, %mul3A_434 : vector<400x100xf32>
    %add3A_442 = arith.constant 64.6714401 : f32
    %add3A_443 = vector.broadcast %add3A_442 : f32 to vector<400x100xf32>
    %add3A_444 = arith.addf %mul3A_441, %add3A_443 : vector<400x100xf32>
    %mul3A_445 = arith.mulf %add3A_444, %mul3A_434 : vector<400x100xf32>
    %add3A_446 = arith.constant -19.7309418 : f32
    %add3A_447 = vector.broadcast %add3A_446 : f32 to vector<400x100xf32>
    %add3A_448 = arith.addf %mul3A_445, %add3A_447 : vector<400x100xf32>
    %mul3A_449 = arith.mulf %add3A_448, %mul3A_434 : vector<400x100xf32>
    %add3A_450 = arith.constant 0.999958992 : f32
    %add3A_451 = vector.broadcast %add3A_450 : f32 to vector<400x100xf32>
    %add3A_452 = arith.addf %mul3A_449, %add3A_451 : vector<400x100xf32>
    %dot_general3A_453 = arith.constant dense<0.000000e+00> : vector<400x10xf32>
    %dot_general3A_454 = tpu.matmul %add3A_452, %get3A_20, %dot_general3A_453 {dimension_numbers = #tpu.dot_dimension_numbers<[1], [0], [0], [1], [0, 0, 1, 1], [], []>, transpose_lhs_hint = false} : vector<400x100xf32>, vector<100x10xf32>, vector<400x10xf32> -> vector<400x10xf32>
    %add3A_455 = arith.addf %add3A_417, %dot_general3A_454 : vector<400x10xf32>
    %add3A_456 = vector.broadcast %get3A_23 : vector<1x10xf32> to vector<400x10xf32>
    %add3A_457 = arith.addf %add3A_455, %add3A_456 : vector<400x10xf32>
    %swap3A_458 = arith.constant 5 : index
    %swap3A_459 = arith.constant 0 : index
    %swap3A_460 = arith.constant 0 : index
    %swap3A_461 = vector.load %arg26[%swap3A_458, %swap3A_459, %swap3A_460] : memref<10x400x10xf32, #tpu.memory_space<vmem>>, vector<1x400x10xf32>
    %swap3A_462 = vector.shape_cast %swap3A_461 : vector<1x400x10xf32> to vector<400x10xf32>
    %swap3A_463 = vector.shape_cast %add3A_457 : vector<400x10xf32> to vector<1x400x10xf32>
    tpu.vector_store %arg26[%swap3A_458, %swap3A_459, %swap3A_460], %swap3A_463 {strides = array<i32>} : memref<10x400x10xf32, #tpu.memory_space<vmem>>, vector<1x400x10xf32>,
    %max3A_464 = arith.maximumf %max3A_393, %add3A_457 : vector<400x10xf32>
    %get3A_465 = arith.constant 6 : index
    %get3A_466 = arith.constant 0 : index
    %get3A_467 = arith.constant 0 : index
    %get3A_468 = vector.load %arg2[%get3A_465, %get3A_466, %get3A_467] : memref<10x400x160xf32, #tpu.memory_space<vmem>>, vector<1x400x160xf32>
    %get3A_469 = vector.shape_cast %get3A_468 : vector<1x400x160xf32> to vector<400x160xf32>
    %convert_element_type3A_470 = arith.truncf %get3A_469 : vector<400x160xf32> to vector<400x160xbf16>
    %dot_general3A_471 = arith.constant dense<0.000000e+00> : vector<400x160xf32>
    %dot_general3A_472 = tpu.matmul %convert_element_type3A_470, %get3A_29, %dot_general3A_471 {dimension_numbers = #tpu.dot_dimension_numbers<[1], [0], [0], [1], [0, 0, 1, 1], [], []>, transpose_lhs_hint = false} : vector<400x160xbf16>, vector<160x160xbf16>, vector<400x160xf32> -> vector<400x160xf32>
    %dot_general3A_473 = arith.constant dense<0.000000e+00> : vector<400x160xf32>
    %dot_general3A_474 = tpu.matmul %convert_element_type3A_470, %get3A_32, %dot_general3A_473 {dimension_numbers = #tpu.dot_dimension_numbers<[1], [0], [0], [1], [0, 0, 1, 1], [], []>, transpose_lhs_hint = false} : vector<400x160xbf16>, vector<160x160xbf16>, vector<400x160xf32> -> vector<400x160xf32>
    %swap3A_475 = arith.constant 6 : index
    %swap3A_476 = arith.constant 0 : index
    %swap3A_477 = arith.constant 0 : index
    %swap3A_478 = vector.load %arg25[%swap3A_475, %swap3A_476, %swap3A_477] : memref<10x400x160xf32, #tpu.memory_space<vmem>>, vector<1x400x160xf32>
    %swap3A_479 = vector.shape_cast %swap3A_478 : vector<1x400x160xf32> to vector<400x160xf32>
    %swap3A_480 = vector.shape_cast %dot_general3A_474 : vector<400x160xf32> to vector<1x400x160xf32>
    tpu.vector_store %arg25[%swap3A_475, %swap3A_476, %swap3A_477], %swap3A_480 {strides = array<i32>} : memref<10x400x160xf32, #tpu.memory_space<vmem>>, vector<1x400x160xf32>,
    %slice3A_481 = vector.extract_strided_slice %add3A_11 {offsets = [0, 96], sizes = [400, 16], strides = [1, 1]} : vector<400x160xf32> to vector<400x16xf32>
    %concatenate3A_482 = tpu.concatenate %slice3A_481, %slice3A_481, %slice3A_481, %slice3A_481, %slice3A_481, %slice3A_481, %slice3A_481, %slice3A_481, %slice3A_481, %slice3A_481 in 1 : vector<400x16xf32>, vector<400x16xf32>, vector<400x16xf32>, vector<400x16xf32>, vector<400x16xf32>, vector<400x16xf32>, vector<400x16xf32>, vector<400x16xf32>, vector<400x16xf32>, vector<400x16xf32> -> vector<400x160xf32>
    %mul3A_483 = arith.mulf %concatenate3A_482, %dot_general3A_472 : vector<400x160xf32>
    %dot_general3A_484 = arith.constant dense<0.000000e+00> : vector<400x10xf32>
    %dot_general3A_485 = tpu.matmul %mul3A_483, %get3A_14, %dot_general3A_484 {dimension_numbers = #tpu.dot_dimension_numbers<[1], [0], [0], [1], [0, 0, 1, 1], [], []>, transpose_lhs_hint = false} : vector<400x160xf32>, vector<160x10xf32>, vector<400x10xf32> -> vector<400x10xf32>
    %dot_general3A_486 = arith.constant dense<0.000000e+00> : vector<400x10xf32>
    %dot_general3A_487 = tpu.matmul %slice3A_481, %get3A_44, %dot_general3A_486 {dimension_numbers = #tpu.dot_dimension_numbers<[1], [0], [0], [1], [0, 0, 1, 1], [], []>, transpose_lhs_hint = false} : vector<400x16xf32>, vector<16x10xf32>, vector<400x10xf32> -> vector<400x10xf32>
    %add3A_488 = arith.addf %dot_general3A_485, %dot_general3A_487 : vector<400x10xf32>
    %get3A_489 = arith.constant 0 : index
    %get3A_490 = arith.constant 6 : index
    %get3A_491 = vector.load %arg3[%get3A_489, %get3A_490] : memref<400x10xf32, #tpu.memory_space<vmem>>, vector<400x1xf32>
    %mul3A_492 = vector.broadcast %get3A_491 : vector<400x1xf32> to vector<400x100xf32>
    %mul3A_493 = vector.broadcast %get3A_38 : vector<1x100xf32> to vector<400x100xf32>
    %mul3A_494 = arith.mulf %mul3A_492, %mul3A_493 : vector<400x100xf32>
    %add3A_495 = vector.broadcast %get3A_41 : vector<1x100xf32> to vector<400x100xf32>
    %add3A_496 = arith.addf %mul3A_494, %add3A_495 : vector<400x100xf32>
    %mul3A_497 = arith.constant 0.159154937 : f32
    %mul3A_498 = vector.broadcast %mul3A_497 : f32 to vector<400x100xf32>
    %mul3A_499 = arith.mulf %add3A_496, %mul3A_498 : vector<400x100xf32>
    %add3A_500 = arith.constant 5.000000e-01 : f32
    %add3A_501 = vector.broadcast %add3A_500 : f32 to vector<400x100xf32>
    %add3A_502 = arith.addf %mul3A_499, %add3A_501 : vector<400x100xf32>
    %floor3A_503 = math.floor %add3A_502 : vector<400x100xf32>
    %sub3A_504 = arith.subf %mul3A_499, %floor3A_503 : vector<400x100xf32>
    %mul3A_505 = arith.mulf %sub3A_504, %sub3A_504 : vector<400x100xf32>
    %mul3A_506 = arith.constant 45.6210518 : f32
    %mul3A_507 = vector.broadcast %mul3A_506 : f32 to vector<400x100xf32>
    %mul3A_508 = arith.mulf %mul3A_507, %mul3A_505 : vector<400x100xf32>
    %add3A_509 = arith.constant -82.3908081 : f32
    %add3A_510 = vector.broadcast %add3A_509 : f32 to vector<400x100xf32>
    %add3A_511 = arith.addf %mul3A_508, %add3A_510 : vector<400x100xf32>
    %mul3A_512 = arith.mulf %add3A_511, %mul3A_505 : vector<400x100xf32>
    %add3A_513 = arith.constant 64.6714401 : f32
    %add3A_514 = vector.broadcast %add3A_513 : f32 to vector<400x100xf32>
    %add3A_515 = arith.addf %mul3A_512, %add3A_514 : vector<400x100xf32>
    %mul3A_516 = arith.mulf %add3A_515, %mul3A_505 : vector<400x100xf32>
    %add3A_517 = arith.constant -19.7309418 : f32
    %add3A_518 = vector.broadcast %add3A_517 : f32 to vector<400x100xf32>
    %add3A_519 = arith.addf %mul3A_516, %add3A_518 : vector<400x100xf32>
    %mul3A_520 = arith.mulf %add3A_519, %mul3A_505 : vector<400x100xf32>
    %add3A_521 = arith.constant 0.999958992 : f32
    %add3A_522 = vector.broadcast %add3A_521 : f32 to vector<400x100xf32>
    %add3A_523 = arith.addf %mul3A_520, %add3A_522 : vector<400x100xf32>
    %dot_general3A_524 = arith.constant dense<0.000000e+00> : vector<400x10xf32>
    %dot_general3A_525 = tpu.matmul %add3A_523, %get3A_20, %dot_general3A_524 {dimension_numbers = #tpu.dot_dimension_numbers<[1], [0], [0], [1], [0, 0, 1, 1], [], []>, transpose_lhs_hint = false} : vector<400x100xf32>, vector<100x10xf32>, vector<400x10xf32> -> vector<400x10xf32>
    %add3A_526 = arith.addf %add3A_488, %dot_general3A_525 : vector<400x10xf32>
    %add3A_527 = vector.broadcast %get3A_23 : vector<1x10xf32> to vector<400x10xf32>
    %add3A_528 = arith.addf %add3A_526, %add3A_527 : vector<400x10xf32>
    %swap3A_529 = arith.constant 6 : index
    %swap3A_530 = arith.constant 0 : index
    %swap3A_531 = arith.constant 0 : index
    %swap3A_532 = vector.load %arg26[%swap3A_529, %swap3A_530, %swap3A_531] : memref<10x400x10xf32, #tpu.memory_space<vmem>>, vector<1x400x10xf32>
    %swap3A_533 = vector.shape_cast %swap3A_532 : vector<1x400x10xf32> to vector<400x10xf32>
    %swap3A_534 = vector.shape_cast %add3A_528 : vector<400x10xf32> to vector<1x400x10xf32>
    tpu.vector_store %arg26[%swap3A_529, %swap3A_530, %swap3A_531], %swap3A_534 {strides = array<i32>} : memref<10x400x10xf32, #tpu.memory_space<vmem>>, vector<1x400x10xf32>,
    %max3A_535 = arith.maximumf %max3A_464, %add3A_528 : vector<400x10xf32>
    %get3A_536 = arith.constant 7 : index
    %get3A_537 = arith.constant 0 : index
    %get3A_538 = arith.constant 0 : index
    %get3A_539 = vector.load %arg2[%get3A_536, %get3A_537, %get3A_538] : memref<10x400x160xf32, #tpu.memory_space<vmem>>, vector<1x400x160xf32>
    %get3A_540 = vector.shape_cast %get3A_539 : vector<1x400x160xf32> to vector<400x160xf32>
    %convert_element_type3A_541 = arith.truncf %get3A_540 : vector<400x160xf32> to vector<400x160xbf16>
    %dot_general3A_542 = arith.constant dense<0.000000e+00> : vector<400x160xf32>
    %dot_general3A_543 = tpu.matmul %convert_element_type3A_541, %get3A_29, %dot_general3A_542 {dimension_numbers = #tpu.dot_dimension_numbers<[1], [0], [0], [1], [0, 0, 1, 1], [], []>, transpose_lhs_hint = false} : vector<400x160xbf16>, vector<160x160xbf16>, vector<400x160xf32> -> vector<400x160xf32>
    %dot_general3A_544 = arith.constant dense<0.000000e+00> : vector<400x160xf32>
    %dot_general3A_545 = tpu.matmul %convert_element_type3A_541, %get3A_32, %dot_general3A_544 {dimension_numbers = #tpu.dot_dimension_numbers<[1], [0], [0], [1], [0, 0, 1, 1], [], []>, transpose_lhs_hint = false} : vector<400x160xbf16>, vector<160x160xbf16>, vector<400x160xf32> -> vector<400x160xf32>
    %swap3A_546 = arith.constant 7 : index
    %swap3A_547 = arith.constant 0 : index
    %swap3A_548 = arith.constant 0 : index
    %swap3A_549 = vector.load %arg25[%swap3A_546, %swap3A_547, %swap3A_548] : memref<10x400x160xf32, #tpu.memory_space<vmem>>, vector<1x400x160xf32>
    %swap3A_550 = vector.shape_cast %swap3A_549 : vector<1x400x160xf32> to vector<400x160xf32>
    %swap3A_551 = vector.shape_cast %dot_general3A_545 : vector<400x160xf32> to vector<1x400x160xf32>
    tpu.vector_store %arg25[%swap3A_546, %swap3A_547, %swap3A_548], %swap3A_551 {strides = array<i32>} : memref<10x400x160xf32, #tpu.memory_space<vmem>>, vector<1x400x160xf32>,
    %slice3A_552 = vector.extract_strided_slice %add3A_11 {offsets = [0, 112], sizes = [400, 16], strides = [1, 1]} : vector<400x160xf32> to vector<400x16xf32>
    %concatenate3A_553 = tpu.concatenate %slice3A_552, %slice3A_552, %slice3A_552, %slice3A_552, %slice3A_552, %slice3A_552, %slice3A_552, %slice3A_552, %slice3A_552, %slice3A_552 in 1 : vector<400x16xf32>, vector<400x16xf32>, vector<400x16xf32>, vector<400x16xf32>, vector<400x16xf32>, vector<400x16xf32>, vector<400x16xf32>, vector<400x16xf32>, vector<400x16xf32>, vector<400x16xf32> -> vector<400x160xf32>
    %mul3A_554 = arith.mulf %concatenate3A_553, %dot_general3A_543 : vector<400x160xf32>
    %dot_general3A_555 = arith.constant dense<0.000000e+00> : vector<400x10xf32>
    %dot_general3A_556 = tpu.matmul %mul3A_554, %get3A_14, %dot_general3A_555 {dimension_numbers = #tpu.dot_dimension_numbers<[1], [0], [0], [1], [0, 0, 1, 1], [], []>, transpose_lhs_hint = false} : vector<400x160xf32>, vector<160x10xf32>, vector<400x10xf32> -> vector<400x10xf32>
    %dot_general3A_557 = arith.constant dense<0.000000e+00> : vector<400x10xf32>
    %dot_general3A_558 = tpu.matmul %slice3A_552, %get3A_44, %dot_general3A_557 {dimension_numbers = #tpu.dot_dimension_numbers<[1], [0], [0], [1], [0, 0, 1, 1], [], []>, transpose_lhs_hint = false} : vector<400x16xf32>, vector<16x10xf32>, vector<400x10xf32> -> vector<400x10xf32>
    %add3A_559 = arith.addf %dot_general3A_556, %dot_general3A_558 : vector<400x10xf32>
    %get3A_560 = arith.constant 0 : index
    %get3A_561 = arith.constant 7 : index
    %get3A_562 = vector.load %arg3[%get3A_560, %get3A_561] : memref<400x10xf32, #tpu.memory_space<vmem>>, vector<400x1xf32>
    %mul3A_563 = vector.broadcast %get3A_562 : vector<400x1xf32> to vector<400x100xf32>
    %mul3A_564 = vector.broadcast %get3A_38 : vector<1x100xf32> to vector<400x100xf32>
    %mul3A_565 = arith.mulf %mul3A_563, %mul3A_564 : vector<400x100xf32>
    %add3A_566 = vector.broadcast %get3A_41 : vector<1x100xf32> to vector<400x100xf32>
    %add3A_567 = arith.addf %mul3A_565, %add3A_566 : vector<400x100xf32>
    %mul3A_568 = arith.constant 0.159154937 : f32
    %mul3A_569 = vector.broadcast %mul3A_568 : f32 to vector<400x100xf32>
    %mul3A_570 = arith.mulf %add3A_567, %mul3A_569 : vector<400x100xf32>
    %add3A_571 = arith.constant 5.000000e-01 : f32
    %add3A_572 = vector.broadcast %add3A_571 : f32 to vector<400x100xf32>
    %add3A_573 = arith.addf %mul3A_570, %add3A_572 : vector<400x100xf32>
    %floor3A_574 = math.floor %add3A_573 : vector<400x100xf32>
    %sub3A_575 = arith.subf %mul3A_570, %floor3A_574 : vector<400x100xf32>
    %mul3A_576 = arith.mulf %sub3A_575, %sub3A_575 : vector<400x100xf32>
    %mul3A_577 = arith.constant 45.6210518 : f32
    %mul3A_578 = vector.broadcast %mul3A_577 : f32 to vector<400x100xf32>
    %mul3A_579 = arith.mulf %mul3A_578, %mul3A_576 : vector<400x100xf32>
    %add3A_580 = arith.constant -82.3908081 : f32
    %add3A_581 = vector.broadcast %add3A_580 : f32 to vector<400x100xf32>
    %add3A_582 = arith.addf %mul3A_579, %add3A_581 : vector<400x100xf32>
    %mul3A_583 = arith.mulf %add3A_582, %mul3A_576 : vector<400x100xf32>
    %add3A_584 = arith.constant 64.6714401 : f32
    %add3A_585 = vector.broadcast %add3A_584 : f32 to vector<400x100xf32>
    %add3A_586 = arith.addf %mul3A_583, %add3A_585 : vector<400x100xf32>
    %mul3A_587 = arith.mulf %add3A_586, %mul3A_576 : vector<400x100xf32>
    %add3A_588 = arith.constant -19.7309418 : f32
    %add3A_589 = vector.broadcast %add3A_588 : f32 to vector<400x100xf32>
    %add3A_590 = arith.addf %mul3A_587, %add3A_589 : vector<400x100xf32>
    %mul3A_591 = arith.mulf %add3A_590, %mul3A_576 : vector<400x100xf32>
    %add3A_592 = arith.constant 0.999958992 : f32
    %add3A_593 = vector.broadcast %add3A_592 : f32 to vector<400x100xf32>
    %add3A_594 = arith.addf %mul3A_591, %add3A_593 : vector<400x100xf32>
    %dot_general3A_595 = arith.constant dense<0.000000e+00> : vector<400x10xf32>
    %dot_general3A_596 = tpu.matmul %add3A_594, %get3A_20, %dot_general3A_595 {dimension_numbers = #tpu.dot_dimension_numbers<[1], [0], [0], [1], [0, 0, 1, 1], [], []>, transpose_lhs_hint = false} : vector<400x100xf32>, vector<100x10xf32>, vector<400x10xf32> -> vector<400x10xf32>
    %add3A_597 = arith.addf %add3A_559, %dot_general3A_596 : vector<400x10xf32>
    %add3A_598 = vector.broadcast %get3A_23 : vector<1x10xf32> to vector<400x10xf32>
    %add3A_599 = arith.addf %add3A_597, %add3A_598 : vector<400x10xf32>
    %swap3A_600 = arith.constant 7 : index
    %swap3A_601 = arith.constant 0 : index
    %swap3A_602 = arith.constant 0 : index
    %swap3A_603 = vector.load %arg26[%swap3A_600, %swap3A_601, %swap3A_602] : memref<10x400x10xf32, #tpu.memory_space<vmem>>, vector<1x400x10xf32>
    %swap3A_604 = vector.shape_cast %swap3A_603 : vector<1x400x10xf32> to vector<400x10xf32>
    %swap3A_605 = vector.shape_cast %add3A_599 : vector<400x10xf32> to vector<1x400x10xf32>
    tpu.vector_store %arg26[%swap3A_600, %swap3A_601, %swap3A_602], %swap3A_605 {strides = array<i32>} : memref<10x400x10xf32, #tpu.memory_space<vmem>>, vector<1x400x10xf32>,
    %max3A_606 = arith.maximumf %max3A_535, %add3A_599 : vector<400x10xf32>
    %get3A_607 = arith.constant 8 : index
    %get3A_608 = arith.constant 0 : index
    %get3A_609 = arith.constant 0 : index
    %get3A_610 = vector.load %arg2[%get3A_607, %get3A_608, %get3A_609] : memref<10x400x160xf32, #tpu.memory_space<vmem>>, vector<1x400x160xf32>
    %get3A_611 = vector.shape_cast %get3A_610 : vector<1x400x160xf32> to vector<400x160xf32>
    %convert_element_type3A_612 = arith.truncf %get3A_611 : vector<400x160xf32> to vector<400x160xbf16>
    %dot_general3A_613 = arith.constant dense<0.000000e+00> : vector<400x160xf32>
    %dot_general3A_614 = tpu.matmul %convert_element_type3A_612, %get3A_29, %dot_general3A_613 {dimension_numbers = #tpu.dot_dimension_numbers<[1], [0], [0], [1], [0, 0, 1, 1], [], []>, transpose_lhs_hint = false} : vector<400x160xbf16>, vector<160x160xbf16>, vector<400x160xf32> -> vector<400x160xf32>
    %dot_general3A_615 = arith.constant dense<0.000000e+00> : vector<400x160xf32>
    %dot_general3A_616 = tpu.matmul %convert_element_type3A_612, %get3A_32, %dot_general3A_615 {dimension_numbers = #tpu.dot_dimension_numbers<[1], [0], [0], [1], [0, 0, 1, 1], [], []>, transpose_lhs_hint = false} : vector<400x160xbf16>, vector<160x160xbf16>, vector<400x160xf32> -> vector<400x160xf32>
    %swap3A_617 = arith.constant 8 : index
    %swap3A_618 = arith.constant 0 : index
    %swap3A_619 = arith.constant 0 : index
    %swap3A_620 = vector.load %arg25[%swap3A_617, %swap3A_618, %swap3A_619] : memref<10x400x160xf32, #tpu.memory_space<vmem>>, vector<1x400x160xf32>
    %swap3A_621 = vector.shape_cast %swap3A_620 : vector<1x400x160xf32> to vector<400x160xf32>
    %swap3A_622 = vector.shape_cast %dot_general3A_616 : vector<400x160xf32> to vector<1x400x160xf32>
    tpu.vector_store %arg25[%swap3A_617, %swap3A_618, %swap3A_619], %swap3A_622 {strides = array<i32>} : memref<10x400x160xf32, #tpu.memory_space<vmem>>, vector<1x400x160xf32>,
    %slice3A_623 = vector.extract_strided_slice %add3A_11 {offsets = [0, 128], sizes = [400, 16], strides = [1, 1]} : vector<400x160xf32> to vector<400x16xf32>
    %concatenate3A_624 = tpu.concatenate %slice3A_623, %slice3A_623, %slice3A_623, %slice3A_623, %slice3A_623, %slice3A_623, %slice3A_623, %slice3A_623, %slice3A_623, %slice3A_623 in 1 : vector<400x16xf32>, vector<400x16xf32>, vector<400x16xf32>, vector<400x16xf32>, vector<400x16xf32>, vector<400x16xf32>, vector<400x16xf32>, vector<400x16xf32>, vector<400x16xf32>, vector<400x16xf32> -> vector<400x160xf32>
    %mul3A_625 = arith.mulf %concatenate3A_624, %dot_general3A_614 : vector<400x160xf32>
    %dot_general3A_626 = arith.constant dense<0.000000e+00> : vector<400x10xf32>
    %dot_general3A_627 = tpu.matmul %mul3A_625, %get3A_14, %dot_general3A_626 {dimension_numbers = #tpu.dot_dimension_numbers<[1], [0], [0], [1], [0, 0, 1, 1], [], []>, transpose_lhs_hint = false} : vector<400x160xf32>, vector<160x10xf32>, vector<400x10xf32> -> vector<400x10xf32>
    %dot_general3A_628 = arith.constant dense<0.000000e+00> : vector<400x10xf32>
    %dot_general3A_629 = tpu.matmul %slice3A_623, %get3A_44, %dot_general3A_628 {dimension_numbers = #tpu.dot_dimension_numbers<[1], [0], [0], [1], [0, 0, 1, 1], [], []>, transpose_lhs_hint = false} : vector<400x16xf32>, vector<16x10xf32>, vector<400x10xf32> -> vector<400x10xf32>
    %add3A_630 = arith.addf %dot_general3A_627, %dot_general3A_629 : vector<400x10xf32>
    %get3A_631 = arith.constant 0 : index
    %get3A_632 = arith.constant 8 : index
    %get3A_633 = vector.load %arg3[%get3A_631, %get3A_632] : memref<400x10xf32, #tpu.memory_space<vmem>>, vector<400x1xf32>
    %mul3A_634 = vector.broadcast %get3A_633 : vector<400x1xf32> to vector<400x100xf32>
    %mul3A_635 = vector.broadcast %get3A_38 : vector<1x100xf32> to vector<400x100xf32>
    %mul3A_636 = arith.mulf %mul3A_634, %mul3A_635 : vector<400x100xf32>
    %add3A_637 = vector.broadcast %get3A_41 : vector<1x100xf32> to vector<400x100xf32>
    %add3A_638 = arith.addf %mul3A_636, %add3A_637 : vector<400x100xf32>
    %mul3A_639 = arith.constant 0.159154937 : f32
    %mul3A_640 = vector.broadcast %mul3A_639 : f32 to vector<400x100xf32>
    %mul3A_641 = arith.mulf %add3A_638, %mul3A_640 : vector<400x100xf32>
    %add3A_642 = arith.constant 5.000000e-01 : f32
    %add3A_643 = vector.broadcast %add3A_642 : f32 to vector<400x100xf32>
    %add3A_644 = arith.addf %mul3A_641, %add3A_643 : vector<400x100xf32>
    %floor3A_645 = math.floor %add3A_644 : vector<400x100xf32>
    %sub3A_646 = arith.subf %mul3A_641, %floor3A_645 : vector<400x100xf32>
    %mul3A_647 = arith.mulf %sub3A_646, %sub3A_646 : vector<400x100xf32>
    %mul3A_648 = arith.constant 45.6210518 : f32
    %mul3A_649 = vector.broadcast %mul3A_648 : f32 to vector<400x100xf32>
    %mul3A_650 = arith.mulf %mul3A_649, %mul3A_647 : vector<400x100xf32>
    %add3A_651 = arith.constant -82.3908081 : f32
    %add3A_652 = vector.broadcast %add3A_651 : f32 to vector<400x100xf32>
    %add3A_653 = arith.addf %mul3A_650, %add3A_652 : vector<400x100xf32>
    %mul3A_654 = arith.mulf %add3A_653, %mul3A_647 : vector<400x100xf32>
    %add3A_655 = arith.constant 64.6714401 : f32
    %add3A_656 = vector.broadcast %add3A_655 : f32 to vector<400x100xf32>
    %add3A_657 = arith.addf %mul3A_654, %add3A_656 : vector<400x100xf32>
    %mul3A_658 = arith.mulf %add3A_657, %mul3A_647 : vector<400x100xf32>
    %add3A_659 = arith.constant -19.7309418 : f32
    %add3A_660 = vector.broadcast %add3A_659 : f32 to vector<400x100xf32>
    %add3A_661 = arith.addf %mul3A_658, %add3A_660 : vector<400x100xf32>
    %mul3A_662 = arith.mulf %add3A_661, %mul3A_647 : vector<400x100xf32>
    %add3A_663 = arith.constant 0.999958992 : f32
    %add3A_664 = vector.broadcast %add3A_663 : f32 to vector<400x100xf32>
    %add3A_665 = arith.addf %mul3A_662, %add3A_664 : vector<400x100xf32>
    %dot_general3A_666 = arith.constant dense<0.000000e+00> : vector<400x10xf32>
    %dot_general3A_667 = tpu.matmul %add3A_665, %get3A_20, %dot_general3A_666 {dimension_numbers = #tpu.dot_dimension_numbers<[1], [0], [0], [1], [0, 0, 1, 1], [], []>, transpose_lhs_hint = false} : vector<400x100xf32>, vector<100x10xf32>, vector<400x10xf32> -> vector<400x10xf32>
    %add3A_668 = arith.addf %add3A_630, %dot_general3A_667 : vector<400x10xf32>
    %add3A_669 = vector.broadcast %get3A_23 : vector<1x10xf32> to vector<400x10xf32>
    %add3A_670 = arith.addf %add3A_668, %add3A_669 : vector<400x10xf32>
    %swap3A_671 = arith.constant 8 : index
    %swap3A_672 = arith.constant 0 : index
    %swap3A_673 = arith.constant 0 : index
    %swap3A_674 = vector.load %arg26[%swap3A_671, %swap3A_672, %swap3A_673] : memref<10x400x10xf32, #tpu.memory_space<vmem>>, vector<1x400x10xf32>
    %swap3A_675 = vector.shape_cast %swap3A_674 : vector<1x400x10xf32> to vector<400x10xf32>
    %swap3A_676 = vector.shape_cast %add3A_670 : vector<400x10xf32> to vector<1x400x10xf32>
    tpu.vector_store %arg26[%swap3A_671, %swap3A_672, %swap3A_673], %swap3A_676 {strides = array<i32>} : memref<10x400x10xf32, #tpu.memory_space<vmem>>, vector<1x400x10xf32>,
    %max3A_677 = arith.maximumf %max3A_606, %add3A_670 : vector<400x10xf32>
    %get3A_678 = arith.constant 9 : index
    %get3A_679 = arith.constant 0 : index
    %get3A_680 = arith.constant 0 : index
    %get3A_681 = vector.load %arg2[%get3A_678, %get3A_679, %get3A_680] : memref<10x400x160xf32, #tpu.memory_space<vmem>>, vector<1x400x160xf32>
    %get3A_682 = vector.shape_cast %get3A_681 : vector<1x400x160xf32> to vector<400x160xf32>
    %convert_element_type3A_683 = arith.truncf %get3A_682 : vector<400x160xf32> to vector<400x160xbf16>
    %dot_general3A_684 = arith.constant dense<0.000000e+00> : vector<400x160xf32>
    %dot_general3A_685 = tpu.matmul %convert_element_type3A_683, %get3A_29, %dot_general3A_684 {dimension_numbers = #tpu.dot_dimension_numbers<[1], [0], [0], [1], [0, 0, 1, 1], [], []>, transpose_lhs_hint = false} : vector<400x160xbf16>, vector<160x160xbf16>, vector<400x160xf32> -> vector<400x160xf32>
    %dot_general3A_686 = arith.constant dense<0.000000e+00> : vector<400x160xf32>
    %dot_general3A_687 = tpu.matmul %convert_element_type3A_683, %get3A_32, %dot_general3A_686 {dimension_numbers = #tpu.dot_dimension_numbers<[1], [0], [0], [1], [0, 0, 1, 1], [], []>, transpose_lhs_hint = false} : vector<400x160xbf16>, vector<160x160xbf16>, vector<400x160xf32> -> vector<400x160xf32>
    %swap3A_688 = arith.constant 9 : index
    %swap3A_689 = arith.constant 0 : index
    %swap3A_690 = arith.constant 0 : index
    %swap3A_691 = vector.load %arg25[%swap3A_688, %swap3A_689, %swap3A_690] : memref<10x400x160xf32, #tpu.memory_space<vmem>>, vector<1x400x160xf32>
    %swap3A_692 = vector.shape_cast %swap3A_691 : vector<1x400x160xf32> to vector<400x160xf32>
    %swap3A_693 = vector.shape_cast %dot_general3A_687 : vector<400x160xf32> to vector<1x400x160xf32>
    tpu.vector_store %arg25[%swap3A_688, %swap3A_689, %swap3A_690], %swap3A_693 {strides = array<i32>} : memref<10x400x160xf32, #tpu.memory_space<vmem>>, vector<1x400x160xf32>,
    %slice3A_694 = vector.extract_strided_slice %add3A_11 {offsets = [0, 144], sizes = [400, 16], strides = [1, 1]} : vector<400x160xf32> to vector<400x16xf32>
    %concatenate3A_695 = tpu.concatenate %slice3A_694, %slice3A_694, %slice3A_694, %slice3A_694, %slice3A_694, %slice3A_694, %slice3A_694, %slice3A_694, %slice3A_694, %slice3A_694 in 1 : vector<400x16xf32>, vector<400x16xf32>, vector<400x16xf32>, vector<400x16xf32>, vector<400x16xf32>, vector<400x16xf32>, vector<400x16xf32>, vector<400x16xf32>, vector<400x16xf32>, vector<400x16xf32> -> vector<400x160xf32>
    %mul3A_696 = arith.mulf %concatenate3A_695, %dot_general3A_685 : vector<400x160xf32>
    %dot_general3A_697 = arith.constant dense<0.000000e+00> : vector<400x10xf32>
    %dot_general3A_698 = tpu.matmul %mul3A_696, %get3A_14, %dot_general3A_697 {dimension_numbers = #tpu.dot_dimension_numbers<[1], [0], [0], [1], [0, 0, 1, 1], [], []>, transpose_lhs_hint = false} : vector<400x160xf32>, vector<160x10xf32>, vector<400x10xf32> -> vector<400x10xf32>
    %dot_general3A_699 = arith.constant dense<0.000000e+00> : vector<400x10xf32>
    %dot_general3A_700 = tpu.matmul %slice3A_694, %get3A_44, %dot_general3A_699 {dimension_numbers = #tpu.dot_dimension_numbers<[1], [0], [0], [1], [0, 0, 1, 1], [], []>, transpose_lhs_hint = false} : vector<400x16xf32>, vector<16x10xf32>, vector<400x10xf32> -> vector<400x10xf32>
    %add3A_701 = arith.addf %dot_general3A_698, %dot_general3A_700 : vector<400x10xf32>
    %get3A_702 = arith.constant 0 : index
    %get3A_703 = arith.constant 9 : index
    %get3A_704 = vector.load %arg3[%get3A_702, %get3A_703] : memref<400x10xf32, #tpu.memory_space<vmem>>, vector<400x1xf32>
    %mul3A_705 = vector.broadcast %get3A_704 : vector<400x1xf32> to vector<400x100xf32>
    %mul3A_706 = vector.broadcast %get3A_38 : vector<1x100xf32> to vector<400x100xf32>
    %mul3A_707 = arith.mulf %mul3A_705, %mul3A_706 : vector<400x100xf32>
    %add3A_708 = vector.broadcast %get3A_41 : vector<1x100xf32> to vector<400x100xf32>
    %add3A_709 = arith.addf %mul3A_707, %add3A_708 : vector<400x100xf32>
    %mul3A_710 = arith.constant 0.159154937 : f32
    %mul3A_711 = vector.broadcast %mul3A_710 : f32 to vector<400x100xf32>
    %mul3A_712 = arith.mulf %add3A_709, %mul3A_711 : vector<400x100xf32>
    %add3A_713 = arith.constant 5.000000e-01 : f32
    %add3A_714 = vector.broadcast %add3A_713 : f32 to vector<400x100xf32>
    %add3A_715 = arith.addf %mul3A_712, %add3A_714 : vector<400x100xf32>
    %floor3A_716 = math.floor %add3A_715 : vector<400x100xf32>
    %sub3A_717 = arith.subf %mul3A_712, %floor3A_716 : vector<400x100xf32>
    %mul3A_718 = arith.mulf %sub3A_717, %sub3A_717 : vector<400x100xf32>
    %mul3A_719 = arith.constant 45.6210518 : f32
    %mul3A_720 = vector.broadcast %mul3A_719 : f32 to vector<400x100xf32>
    %mul3A_721 = arith.mulf %mul3A_720, %mul3A_718 : vector<400x100xf32>
    %add3A_722 = arith.constant -82.3908081 : f32
    %add3A_723 = vector.broadcast %add3A_722 : f32 to vector<400x100xf32>
    %add3A_724 = arith.addf %mul3A_721, %add3A_723 : vector<400x100xf32>
    %mul3A_725 = arith.mulf %add3A_724, %mul3A_718 : vector<400x100xf32>
    %add3A_726 = arith.constant 64.6714401 : f32
    %add3A_727 = vector.broadcast %add3A_726 : f32 to vector<400x100xf32>
    %add3A_728 = arith.addf %mul3A_725, %add3A_727 : vector<400x100xf32>
    %mul3A_729 = arith.mulf %add3A_728, %mul3A_718 : vector<400x100xf32>
    %add3A_730 = arith.constant -19.7309418 : f32
    %add3A_731 = vector.broadcast %add3A_730 : f32 to vector<400x100xf32>
    %add3A_732 = arith.addf %mul3A_729, %add3A_731 : vector<400x100xf32>
    %mul3A_733 = arith.mulf %add3A_732, %mul3A_718 : vector<400x100xf32>
    %add3A_734 = arith.constant 0.999958992 : f32
    %add3A_735 = vector.broadcast %add3A_734 : f32 to vector<400x100xf32>
    %add3A_736 = arith.addf %mul3A_733, %add3A_735 : vector<400x100xf32>
    %dot_general3A_737 = arith.constant dense<0.000000e+00> : vector<400x10xf32>
    %dot_general3A_738 = tpu.matmul %add3A_736, %get3A_20, %dot_general3A_737 {dimension_numbers = #tpu.dot_dimension_numbers<[1], [0], [0], [1], [0, 0, 1, 1], [], []>, transpose_lhs_hint = false} : vector<400x100xf32>, vector<100x10xf32>, vector<400x10xf32> -> vector<400x10xf32>
    %add3A_739 = arith.addf %add3A_701, %dot_general3A_738 : vector<400x10xf32>
    %add3A_740 = vector.broadcast %get3A_23 : vector<1x10xf32> to vector<400x10xf32>
    %add3A_741 = arith.addf %add3A_739, %add3A_740 : vector<400x10xf32>
    %swap3A_742 = arith.constant 9 : index
    %swap3A_743 = arith.constant 0 : index
    %swap3A_744 = arith.constant 0 : index
    %swap3A_745 = vector.load %arg26[%swap3A_742, %swap3A_743, %swap3A_744] : memref<10x400x10xf32, #tpu.memory_space<vmem>>, vector<1x400x10xf32>
    %swap3A_746 = vector.shape_cast %swap3A_745 : vector<1x400x10xf32> to vector<400x10xf32>
    %swap3A_747 = vector.shape_cast %add3A_741 : vector<400x10xf32> to vector<1x400x10xf32>
    tpu.vector_store %arg26[%swap3A_742, %swap3A_743, %swap3A_744], %swap3A_747 {strides = array<i32>} : memref<10x400x10xf32, #tpu.memory_space<vmem>>, vector<1x400x10xf32>,
    %max3A_748 = arith.maximumf %max3A_677, %add3A_741 : vector<400x10xf32>
    %broadcast_in_dim3A_749 = arith.constant 0.000000e+00 : f32
    %broadcast_in_dim3A_750 = vector.broadcast %broadcast_in_dim3A_749 : f32 to vector<400x10xf32>
    %broadcast_in_dim3A_751 = arith.constant 0.000000e+00 : f32
    %broadcast_in_dim3A_752 = vector.broadcast %broadcast_in_dim3A_751 : f32 to vector<400x160xf32>
    %get3A_753 = arith.constant 0 : index
    %get3A_754 = arith.constant 0 : index
    %get3A_755 = arith.constant 0 : index
    %get3A_756 = vector.load %arg26[%get3A_753, %get3A_754, %get3A_755] : memref<10x400x10xf32, #tpu.memory_space<vmem>>, vector<1x400x10xf32>
    %get3A_757 = vector.shape_cast %get3A_756 : vector<1x400x10xf32> to vector<400x10xf32>
    %sub3A_758 = arith.subf %get3A_757, %max3A_748 : vector<400x10xf32>
    %exp3A = math.exp %sub3A_758 : vector<400x10xf32>
    %add3A_759 = arith.addf %broadcast_in_dim3A_750, %exp3A : vector<400x10xf32>
    %dot_general3A_760 = arith.constant dense<0.000000e+00> : vector<400x160xf32>
    %dot_general3A_761 = tpu.matmul %exp3A, %get3A_17, %dot_general3A_760 {dimension_numbers = #tpu.dot_dimension_numbers<[1], [0], [0], [1], [0, 0, 1, 1], [], []>, transpose_lhs_hint = false} : vector<400x10xf32>, vector<10x160xf32>, vector<400x160xf32> -> vector<400x160xf32>
    %get3A_762 = arith.constant 0 : index
    %get3A_763 = arith.constant 0 : index
    %get3A_764 = arith.constant 0 : index
    %get3A_765 = vector.load %arg25[%get3A_762, %get3A_763, %get3A_764] : memref<10x400x160xf32, #tpu.memory_space<vmem>>, vector<1x400x160xf32>
    %get3A_766 = vector.shape_cast %get3A_765 : vector<1x400x160xf32> to vector<400x160xf32>
    %mul3A_767 = arith.mulf %dot_general3A_761, %get3A_766 : vector<400x160xf32>
    %add3A_768 = arith.addf %broadcast_in_dim3A_752, %mul3A_767 : vector<400x160xf32>
    %get3A_769 = arith.constant 1 : index
    %get3A_770 = arith.constant 0 : index
    %get3A_771 = arith.constant 0 : index
    %get3A_772 = vector.load %arg26[%get3A_769, %get3A_770, %get3A_771] : memref<10x400x10xf32, #tpu.memory_space<vmem>>, vector<1x400x10xf32>
    %get3A_773 = vector.shape_cast %get3A_772 : vector<1x400x10xf32> to vector<400x10xf32>
    %sub3A_774 = arith.subf %get3A_773, %max3A_748 : vector<400x10xf32>
    %exp3A_775 = math.exp %sub3A_774 : vector<400x10xf32>
    %add3A_776 = arith.addf %add3A_759, %exp3A_775 : vector<400x10xf32>
    %dot_general3A_777 = arith.constant dense<0.000000e+00> : vector<400x160xf32>
    %dot_general3A_778 = tpu.matmul %exp3A_775, %get3A_17, %dot_general3A_777 {dimension_numbers = #tpu.dot_dimension_numbers<[1], [0], [0], [1], [0, 0, 1, 1], [], []>, transpose_lhs_hint = false} : vector<400x10xf32>, vector<10x160xf32>, vector<400x160xf32> -> vector<400x160xf32>
    %get3A_779 = arith.constant 1 : index
    %get3A_780 = arith.constant 0 : index
    %get3A_781 = arith.constant 0 : index
    %get3A_782 = vector.load %arg25[%get3A_779, %get3A_780, %get3A_781] : memref<10x400x160xf32, #tpu.memory_space<vmem>>, vector<1x400x160xf32>
    %get3A_783 = vector.shape_cast %get3A_782 : vector<1x400x160xf32> to vector<400x160xf32>
    %mul3A_784 = arith.mulf %dot_general3A_778, %get3A_783 : vector<400x160xf32>
    %add3A_785 = arith.addf %add3A_768, %mul3A_784 : vector<400x160xf32>
    %get3A_786 = arith.constant 2 : index
    %get3A_787 = arith.constant 0 : index
    %get3A_788 = arith.constant 0 : index
    %get3A_789 = vector.load %arg26[%get3A_786, %get3A_787, %get3A_788] : memref<10x400x10xf32, #tpu.memory_space<vmem>>, vector<1x400x10xf32>
    %get3A_790 = vector.shape_cast %get3A_789 : vector<1x400x10xf32> to vector<400x10xf32>
    %sub3A_791 = arith.subf %get3A_790, %max3A_748 : vector<400x10xf32>
    %exp3A_792 = math.exp %sub3A_791 : vector<400x10xf32>
    %add3A_793 = arith.addf %add3A_776, %exp3A_792 : vector<400x10xf32>
    %dot_general3A_794 = arith.constant dense<0.000000e+00> : vector<400x160xf32>
    %dot_general3A_795 = tpu.matmul %exp3A_792, %get3A_17, %dot_general3A_794 {dimension_numbers = #tpu.dot_dimension_numbers<[1], [0], [0], [1], [0, 0, 1, 1], [], []>, transpose_lhs_hint = false} : vector<400x10xf32>, vector<10x160xf32>, vector<400x160xf32> -> vector<400x160xf32>
    %get3A_796 = arith.constant 2 : index
    %get3A_797 = arith.constant 0 : index
    %get3A_798 = arith.constant 0 : index
    %get3A_799 = vector.load %arg25[%get3A_796, %get3A_797, %get3A_798] : memref<10x400x160xf32, #tpu.memory_space<vmem>>, vector<1x400x160xf32>
    %get3A_800 = vector.shape_cast %get3A_799 : vector<1x400x160xf32> to vector<400x160xf32>
    %mul3A_801 = arith.mulf %dot_general3A_795, %get3A_800 : vector<400x160xf32>
    %add3A_802 = arith.addf %add3A_785, %mul3A_801 : vector<400x160xf32>
    %get3A_803 = arith.constant 3 : index
    %get3A_804 = arith.constant 0 : index
    %get3A_805 = arith.constant 0 : index
    %get3A_806 = vector.load %arg26[%get3A_803, %get3A_804, %get3A_805] : memref<10x400x10xf32, #tpu.memory_space<vmem>>, vector<1x400x10xf32>
    %get3A_807 = vector.shape_cast %get3A_806 : vector<1x400x10xf32> to vector<400x10xf32>
    %sub3A_808 = arith.subf %get3A_807, %max3A_748 : vector<400x10xf32>
    %exp3A_809 = math.exp %sub3A_808 : vector<400x10xf32>
    %add3A_810 = arith.addf %add3A_793, %exp3A_809 : vector<400x10xf32>
    %dot_general3A_811 = arith.constant dense<0.000000e+00> : vector<400x160xf32>
    %dot_general3A_812 = tpu.matmul %exp3A_809, %get3A_17, %dot_general3A_811 {dimension_numbers = #tpu.dot_dimension_numbers<[1], [0], [0], [1], [0, 0, 1, 1], [], []>, transpose_lhs_hint = false} : vector<400x10xf32>, vector<10x160xf32>, vector<400x160xf32> -> vector<400x160xf32>
    %get3A_813 = arith.constant 3 : index
    %get3A_814 = arith.constant 0 : index
    %get3A_815 = arith.constant 0 : index
    %get3A_816 = vector.load %arg25[%get3A_813, %get3A_814, %get3A_815] : memref<10x400x160xf32, #tpu.memory_space<vmem>>, vector<1x400x160xf32>
    %get3A_817 = vector.shape_cast %get3A_816 : vector<1x400x160xf32> to vector<400x160xf32>
    %mul3A_818 = arith.mulf %dot_general3A_812, %get3A_817 : vector<400x160xf32>
    %add3A_819 = arith.addf %add3A_802, %mul3A_818 : vector<400x160xf32>
    %get3A_820 = arith.constant 4 : index
    %get3A_821 = arith.constant 0 : index
    %get3A_822 = arith.constant 0 : index
    %get3A_823 = vector.load %arg26[%get3A_820, %get3A_821, %get3A_822] : memref<10x400x10xf32, #tpu.memory_space<vmem>>, vector<1x400x10xf32>
    %get3A_824 = vector.shape_cast %get3A_823 : vector<1x400x10xf32> to vector<400x10xf32>
    %sub3A_825 = arith.subf %get3A_824, %max3A_748 : vector<400x10xf32>
    %exp3A_826 = math.exp %sub3A_825 : vector<400x10xf32>
    %add3A_827 = arith.addf %add3A_810, %exp3A_826 : vector<400x10xf32>
    %dot_general3A_828 = arith.constant dense<0.000000e+00> : vector<400x160xf32>
    %dot_general3A_829 = tpu.matmul %exp3A_826, %get3A_17, %dot_general3A_828 {dimension_numbers = #tpu.dot_dimension_numbers<[1], [0], [0], [1], [0, 0, 1, 1], [], []>, transpose_lhs_hint = false} : vector<400x10xf32>, vector<10x160xf32>, vector<400x160xf32> -> vector<400x160xf32>
    %get3A_830 = arith.constant 4 : index
    %get3A_831 = arith.constant 0 : index
    %get3A_832 = arith.constant 0 : index
    %get3A_833 = vector.load %arg25[%get3A_830, %get3A_831, %get3A_832] : memref<10x400x160xf32, #tpu.memory_space<vmem>>, vector<1x400x160xf32>
    %get3A_834 = vector.shape_cast %get3A_833 : vector<1x400x160xf32> to vector<400x160xf32>
    %mul3A_835 = arith.mulf %dot_general3A_829, %get3A_834 : vector<400x160xf32>
    %add3A_836 = arith.addf %add3A_819, %mul3A_835 : vector<400x160xf32>
    %get3A_837 = arith.constant 5 : index
    %get3A_838 = arith.constant 0 : index
    %get3A_839 = arith.constant 0 : index
    %get3A_840 = vector.load %arg26[%get3A_837, %get3A_838, %get3A_839] : memref<10x400x10xf32, #tpu.memory_space<vmem>>, vector<1x400x10xf32>
    %get3A_841 = vector.shape_cast %get3A_840 : vector<1x400x10xf32> to vector<400x10xf32>
    %sub3A_842 = arith.subf %get3A_841, %max3A_748 : vector<400x10xf32>
    %exp3A_843 = math.exp %sub3A_842 : vector<400x10xf32>
    %add3A_844 = arith.addf %add3A_827, %exp3A_843 : vector<400x10xf32>
    %dot_general3A_845 = arith.constant dense<0.000000e+00> : vector<400x160xf32>
    %dot_general3A_846 = tpu.matmul %exp3A_843, %get3A_17, %dot_general3A_845 {dimension_numbers = #tpu.dot_dimension_numbers<[1], [0], [0], [1], [0, 0, 1, 1], [], []>, transpose_lhs_hint = false} : vector<400x10xf32>, vector<10x160xf32>, vector<400x160xf32> -> vector<400x160xf32>
    %get3A_847 = arith.constant 5 : index
    %get3A_848 = arith.constant 0 : index
    %get3A_849 = arith.constant 0 : index
    %get3A_850 = vector.load %arg25[%get3A_847, %get3A_848, %get3A_849] : memref<10x400x160xf32, #tpu.memory_space<vmem>>, vector<1x400x160xf32>
    %get3A_851 = vector.shape_cast %get3A_850 : vector<1x400x160xf32> to vector<400x160xf32>
    %mul3A_852 = arith.mulf %dot_general3A_846, %get3A_851 : vector<400x160xf32>
    %add3A_853 = arith.addf %add3A_836, %mul3A_852 : vector<400x160xf32>
    %get3A_854 = arith.constant 6 : index
    %get3A_855 = arith.constant 0 : index
    %get3A_856 = arith.constant 0 : index
    %get3A_857 = vector.load %arg26[%get3A_854, %get3A_855, %get3A_856] : memref<10x400x10xf32, #tpu.memory_space<vmem>>, vector<1x400x10xf32>
    %get3A_858 = vector.shape_cast %get3A_857 : vector<1x400x10xf32> to vector<400x10xf32>
    %sub3A_859 = arith.subf %get3A_858, %max3A_748 : vector<400x10xf32>
    %exp3A_860 = math.exp %sub3A_859 : vector<400x10xf32>
    %add3A_861 = arith.addf %add3A_844, %exp3A_860 : vector<400x10xf32>
    %dot_general3A_862 = arith.constant dense<0.000000e+00> : vector<400x160xf32>
    %dot_general3A_863 = tpu.matmul %exp3A_860, %get3A_17, %dot_general3A_862 {dimension_numbers = #tpu.dot_dimension_numbers<[1], [0], [0], [1], [0, 0, 1, 1], [], []>, transpose_lhs_hint = false} : vector<400x10xf32>, vector<10x160xf32>, vector<400x160xf32> -> vector<400x160xf32>
    %get3A_864 = arith.constant 6 : index
    %get3A_865 = arith.constant 0 : index
    %get3A_866 = arith.constant 0 : index
    %get3A_867 = vector.load %arg25[%get3A_864, %get3A_865, %get3A_866] : memref<10x400x160xf32, #tpu.memory_space<vmem>>, vector<1x400x160xf32>
    %get3A_868 = vector.shape_cast %get3A_867 : vector<1x400x160xf32> to vector<400x160xf32>
    %mul3A_869 = arith.mulf %dot_general3A_863, %get3A_868 : vector<400x160xf32>
    %add3A_870 = arith.addf %add3A_853, %mul3A_869 : vector<400x160xf32>
    %get3A_871 = arith.constant 7 : index
    %get3A_872 = arith.constant 0 : index
    %get3A_873 = arith.constant 0 : index
    %get3A_874 = vector.load %arg26[%get3A_871, %get3A_872, %get3A_873] : memref<10x400x10xf32, #tpu.memory_space<vmem>>, vector<1x400x10xf32>
    %get3A_875 = vector.shape_cast %get3A_874 : vector<1x400x10xf32> to vector<400x10xf32>
    %sub3A_876 = arith.subf %get3A_875, %max3A_748 : vector<400x10xf32>
    %exp3A_877 = math.exp %sub3A_876 : vector<400x10xf32>
    %add3A_878 = arith.addf %add3A_861, %exp3A_877 : vector<400x10xf32>
    %dot_general3A_879 = arith.constant dense<0.000000e+00> : vector<400x160xf32>
    %dot_general3A_880 = tpu.matmul %exp3A_877, %get3A_17, %dot_general3A_879 {dimension_numbers = #tpu.dot_dimension_numbers<[1], [0], [0], [1], [0, 0, 1, 1], [], []>, transpose_lhs_hint = false} : vector<400x10xf32>, vector<10x160xf32>, vector<400x160xf32> -> vector<400x160xf32>
    %get3A_881 = arith.constant 7 : index
    %get3A_882 = arith.constant 0 : index
    %get3A_883 = arith.constant 0 : index
    %get3A_884 = vector.load %arg25[%get3A_881, %get3A_882, %get3A_883] : memref<10x400x160xf32, #tpu.memory_space<vmem>>, vector<1x400x160xf32>
    %get3A_885 = vector.shape_cast %get3A_884 : vector<1x400x160xf32> to vector<400x160xf32>
    %mul3A_886 = arith.mulf %dot_general3A_880, %get3A_885 : vector<400x160xf32>
    %add3A_887 = arith.addf %add3A_870, %mul3A_886 : vector<400x160xf32>
    %get3A_888 = arith.constant 8 : index
    %get3A_889 = arith.constant 0 : index
    %get3A_890 = arith.constant 0 : index
    %get3A_891 = vector.load %arg26[%get3A_888, %get3A_889, %get3A_890] : memref<10x400x10xf32, #tpu.memory_space<vmem>>, vector<1x400x10xf32>
    %get3A_892 = vector.shape_cast %get3A_891 : vector<1x400x10xf32> to vector<400x10xf32>
    %sub3A_893 = arith.subf %get3A_892, %max3A_748 : vector<400x10xf32>
    %exp3A_894 = math.exp %sub3A_893 : vector<400x10xf32>
    %add3A_895 = arith.addf %add3A_878, %exp3A_894 : vector<400x10xf32>
    %dot_general3A_896 = arith.constant dense<0.000000e+00> : vector<400x160xf32>
    %dot_general3A_897 = tpu.matmul %exp3A_894, %get3A_17, %dot_general3A_896 {dimension_numbers = #tpu.dot_dimension_numbers<[1], [0], [0], [1], [0, 0, 1, 1], [], []>, transpose_lhs_hint = false} : vector<400x10xf32>, vector<10x160xf32>, vector<400x160xf32> -> vector<400x160xf32>
    %get3A_898 = arith.constant 8 : index
    %get3A_899 = arith.constant 0 : index
    %get3A_900 = arith.constant 0 : index
    %get3A_901 = vector.load %arg25[%get3A_898, %get3A_899, %get3A_900] : memref<10x400x160xf32, #tpu.memory_space<vmem>>, vector<1x400x160xf32>
    %get3A_902 = vector.shape_cast %get3A_901 : vector<1x400x160xf32> to vector<400x160xf32>
    %mul3A_903 = arith.mulf %dot_general3A_897, %get3A_902 : vector<400x160xf32>
    %add3A_904 = arith.addf %add3A_887, %mul3A_903 : vector<400x160xf32>
    %get3A_905 = arith.constant 9 : index
    %get3A_906 = arith.constant 0 : index
    %get3A_907 = arith.constant 0 : index
    %get3A_908 = vector.load %arg26[%get3A_905, %get3A_906, %get3A_907] : memref<10x400x10xf32, #tpu.memory_space<vmem>>, vector<1x400x10xf32>
    %get3A_909 = vector.shape_cast %get3A_908 : vector<1x400x10xf32> to vector<400x10xf32>
    %sub3A_910 = arith.subf %get3A_909, %max3A_748 : vector<400x10xf32>
    %exp3A_911 = math.exp %sub3A_910 : vector<400x10xf32>
    %add3A_912 = arith.addf %add3A_895, %exp3A_911 : vector<400x10xf32>
    %dot_general3A_913 = arith.constant dense<0.000000e+00> : vector<400x160xf32>
    %dot_general3A_914 = tpu.matmul %exp3A_911, %get3A_17, %dot_general3A_913 {dimension_numbers = #tpu.dot_dimension_numbers<[1], [0], [0], [1], [0, 0, 1, 1], [], []>, transpose_lhs_hint = false} : vector<400x10xf32>, vector<10x160xf32>, vector<400x160xf32> -> vector<400x160xf32>
    %get3A_915 = arith.constant 9 : index
    %get3A_916 = arith.constant 0 : index
    %get3A_917 = arith.constant 0 : index
    %get3A_918 = vector.load %arg25[%get3A_915, %get3A_916, %get3A_917] : memref<10x400x160xf32, #tpu.memory_space<vmem>>, vector<1x400x160xf32>
    %get3A_919 = vector.shape_cast %get3A_918 : vector<1x400x160xf32> to vector<400x160xf32>
    %mul3A_920 = arith.mulf %dot_general3A_914, %get3A_919 : vector<400x160xf32>
    %add3A_921 = arith.addf %add3A_904, %mul3A_920 : vector<400x160xf32>
    %div3A = arith.constant 1.000000e+00 : f32
    %div3A_922 = vector.broadcast %div3A : f32 to vector<400x10xf32>
    %div3A_923 = arith.divf %div3A_922, %add3A_912 : vector<400x10xf32>
    %dot_general3A_924 = arith.constant dense<0.000000e+00> : vector<400x160xf32>
    %dot_general3A_925 = tpu.matmul %div3A_923, %get3A_17, %dot_general3A_924 {dimension_numbers = #tpu.dot_dimension_numbers<[1], [0], [0], [1], [0, 0, 1, 1], [], []>, transpose_lhs_hint = false} : vector<400x10xf32>, vector<10x160xf32>, vector<400x160xf32> -> vector<400x160xf32>
    %mul3A_926 = arith.mulf %add3A_921, %dot_general3A_925 : vector<400x160xf32>
    %add3A_927 = vector.broadcast %get3A_35 : vector<1x160xf32> to vector<400x160xf32>
    %add3A_928 = arith.addf %mul3A_926, %add3A_927 : vector<400x160xf32>
    %get3A_929 = arith.constant 0 : index
    %get3A_930 = arith.constant 0 : index
    %get3A_931 = vector.load %arg9[%get3A_929, %get3A_930] : memref<160x160xf32, #tpu.memory_space<vmem>>, vector<160x160xf32>
    %dot_general3A_932 = arith.constant dense<0.000000e+00> : vector<400x160xf32>
    %dot_general3A_933 = tpu.matmul %add3A_928, %get3A_931, %dot_general3A_932 {dimension_numbers = #tpu.dot_dimension_numbers<[1], [0], [0], [1], [0, 0, 1, 1], [], []>, transpose_lhs_hint = false} : vector<400x160xf32>, vector<160x160xf32>, vector<400x160xf32> -> vector<400x160xf32>
    %get3A_934 = arith.constant 0 : index
    %get3A_935 = arith.constant 0 : index
    %get3A_936 = vector.load %arg11[%get3A_934, %get3A_935] : memref<160x160xf32, #tpu.memory_space<vmem>>, vector<160x160xf32>
    %dot_general3A_937 = arith.constant dense<0.000000e+00> : vector<400x160xf32>
    %dot_general3A_938 = tpu.matmul %add3A_11, %get3A_936, %dot_general3A_937 {dimension_numbers = #tpu.dot_dimension_numbers<[1], [0], [0], [1], [0, 0, 1, 1], [], []>, transpose_lhs_hint = false} : vector<400x160xf32>, vector<160x160xf32>, vector<400x160xf32> -> vector<400x160xf32>
    %add3A_939 = arith.addf %dot_general3A_933, %dot_general3A_938 : vector<400x160xf32>
    %add3A_940 = vector.broadcast %get3A_26 : vector<1x160xf32> to vector<400x160xf32>
    %add3A_941 = arith.addf %add3A_939, %add3A_940 : vector<400x160xf32>
    %add3A_942 = arith.addf %add3A_941, %get3A_3 : vector<400x160xf32>
    %reduce_sum3A = arith.constant dense<0.000000e+00> : vector<400xf32>
    %reduce_sum3A_943 = vector.multi_reduction <add>, %add3A_942, %reduce_sum3A [1] : vector<400x160xf32> to vector<400xf32>
    %broadcast_in_dim3A_944 = vector.shape_cast %reduce_sum3A_943 : vector<400xf32> to vector<400x1xf32>
    %div3A_945 = arith.constant 1.600000e+02 : f32
    %div3A_946 = vector.broadcast %div3A_945 : f32 to vector<400x1xf32>
    %div3A_947 = arith.divf %broadcast_in_dim3A_944, %div3A_946 : vector<400x1xf32>
    %sub3A_948 = vector.broadcast %div3A_947 : vector<400x1xf32> to vector<400x160xf32>
    %sub3A_949 = arith.subf %add3A_942, %sub3A_948 : vector<400x160xf32>
    %mul3A_950 = arith.mulf %sub3A_949, %sub3A_949 : vector<400x160xf32>
    %reduce_sum3A_951 = arith.constant dense<0.000000e+00> : vector<400xf32>
    %reduce_sum3A_952 = vector.multi_reduction <add>, %mul3A_950, %reduce_sum3A_951 [1] : vector<400x160xf32> to vector<400xf32>
    %broadcast_in_dim3A_953 = vector.shape_cast %reduce_sum3A_952 : vector<400xf32> to vector<400x1xf32>
    %div3A_954 = arith.constant 1.600000e+02 : f32
    %div3A_955 = vector.broadcast %div3A_954 : f32 to vector<400x1xf32>
    %div3A_956 = arith.divf %broadcast_in_dim3A_953, %div3A_955 : vector<400x1xf32>
    %add3A_957 = arith.constant 9.99999974E-6 : f32
    %add3A_958 = vector.broadcast %add3A_957 : f32 to vector<400x1xf32>
    %add3A_959 = arith.addf %div3A_956, %add3A_958 : vector<400x1xf32>
    %rsqrt3A = math.rsqrt %add3A_959 : vector<400x1xf32>
    %mul3A_960 = vector.broadcast %rsqrt3A : vector<400x1xf32> to vector<400x160xf32>
    %mul3A_961 = arith.mulf %sub3A_949, %mul3A_960 : vector<400x160xf32>
    %get3A_962 = arith.constant 0 : index
    %get3A_963 = arith.constant 0 : index
    %get3A_964 = vector.load %arg20[%get3A_962, %get3A_963] : memref<1x160xf32, #tpu.memory_space<vmem>>, vector<1x160xf32>
    %mul3A_965 = vector.broadcast %get3A_964 : vector<1x160xf32> to vector<400x160xf32>
    %mul3A_966 = arith.mulf %mul3A_961, %mul3A_965 : vector<400x160xf32>
    %get3A_967 = arith.constant 0 : index
    %get3A_968 = arith.constant 0 : index
    %get3A_969 = vector.load %arg21[%get3A_967, %get3A_968] : memref<1x160xf32, #tpu.memory_space<vmem>>, vector<1x160xf32>
    %add3A_970 = vector.broadcast %get3A_969 : vector<1x160xf32> to vector<400x160xf32>
    %add3A_971 = arith.addf %mul3A_966, %add3A_970 : vector<400x160xf32>
    %get3A_972 = arith.constant 0 : index
    %get3A_973 = arith.constant 0 : index
    %get3A_974 = vector.load %arg4[%get3A_972, %get3A_973] : memref<400x1xf32, #tpu.memory_space<vmem>>, vector<400x1xf32>
    %gt3A = arith.constant 5.000000e-01 : f32
    %gt3A_975 = vector.broadcast %gt3A : f32 to vector<400x1xf32>
    %gt3A_976 = arith.cmpf ogt, %get3A_974, %gt3A_975 : vector<400x1xf32>
    %broadcast_in_dim3A_977 = vector.shape_cast %gt3A_976 : vector<400x1xi1> to vector<400x1xi1>
    %broadcast_in_dim3A_978 = vector.broadcast %broadcast_in_dim3A_977 : vector<400x1xi1> to vector<400x160xi1>
    %select_n3A = arith.select %broadcast_in_dim3A_978, %add3A_971, %get3A_3 : vector<400x160xi1>, vector<400x160xf32>
    %swap3A_979 = arith.constant 0 : index
    %swap3A_980 = arith.constant 0 : index
    %swap3A_981 = vector.load %arg24[%swap3A_979, %swap3A_980] : memref<400x160xf32, #tpu.memory_space<vmem>>, vector<400x160xf32>
    tpu.vector_store %arg24[%swap3A_979, %swap3A_980], %select_n3A {strides = array<i32>} : memref<400x160xf32, #tpu.memory_space<vmem>>, vector<400x160xf32>,
    return
  }
  func.func @transform_0(%arg0: i32) -> (i32, i32) {
    %c0_i32 = arith.constant 0 : i32
    %c0_i32_0 = arith.constant 0 : i32
    return %arg0, %c0_i32 : i32, i32
  }
  func.func @transform_1(%arg0: i32) -> (i32, i32, i32) {
    %c0_i32 = arith.constant 0 : i32
    %c0_i32_0 = arith.constant 0 : i32
    %c0_i32_1 = arith.constant 0 : i32
    return %c0_i32, %arg0, %c0_i32_0 : i32, i32, i32
  }
  func.func @transform_2(%arg0: i32) -> (i32, i32) {
    %c0_i32 = arith.constant 0 : i32
    %c0_i32_0 = arith.constant 0 : i32
    return %arg0, %c0_i32 : i32, i32
  }
  func.func @transform_3(%arg0: i32) -> (i32, i32) {
    %c0_i32 = arith.constant 0 : i32
    %c0_i32_0 = arith.constant 0 : i32
    return %arg0, %c0_i32 : i32, i32
  }
  func.func @transform_4(%arg0: i32) -> (i32, i32) {
    %c0_i32 = arith.constant 0 : i32
    %c0_i32_0 = arith.constant 0 : i32
    %c0_i32_1 = arith.constant 0 : i32
    return %c0_i32, %c0_i32_0 : i32, i32
  }
  func.func @transform_5(%arg0: i32) -> (i32, i32) {
    %c0_i32 = arith.constant 0 : i32
    %c0_i32_0 = arith.constant 0 : i32
    %c0_i32_1 = arith.constant 0 : i32
    return %c0_i32, %c0_i32_0 : i32, i32
  }
  func.func @transform_6(%arg0: i32) -> (i32, i32) {
    %c0_i32 = arith.constant 0 : i32
    %c0_i32_0 = arith.constant 0 : i32
    %c0_i32_1 = arith.constant 0 : i32
    return %c0_i32, %c0_i32_0 : i32, i32
  }
  func.func @transform_7(%arg0: i32) -> (i32, i32) {
    %c0_i32 = arith.constant 0 : i32
    %c0_i32_0 = arith.constant 0 : i32
    %c0_i32_1 = arith.constant 0 : i32
    return %c0_i32, %c0_i32_0 : i32, i32
  }
  func.func @transform_8(%arg0: i32) -> (i32, i32) {
    %c0_i32 = arith.constant 0 : i32
    %c0_i32_0 = arith.constant 0 : i32
    %c0_i32_1 = arith.constant 0 : i32
    return %c0_i32, %c0_i32_0 : i32, i32
  }
  func.func @transform_9(%arg0: i32) -> (i32, i32) {
    %c0_i32 = arith.constant 0 : i32
    %c0_i32_0 = arith.constant 0 : i32
    %c0_i32_1 = arith.constant 0 : i32
    return %c0_i32, %c0_i32_0 : i32, i32
  }
  func.func @transform_10(%arg0: i32) -> (i32, i32) {
    %c0_i32 = arith.constant 0 : i32
    %c0_i32_0 = arith.constant 0 : i32
    %c0_i32_1 = arith.constant 0 : i32
    return %c0_i32, %c0_i32_0 : i32, i32
  }
  func.func @transform_11(%arg0: i32) -> (i32, i32) {
    %c0_i32 = arith.constant 0 : i32
    %c0_i32_0 = arith.constant 0 : i32
    %c0_i32_1 = arith.constant 0 : i32
    return %c0_i32, %c0_i32_0 : i32, i32
  }
  func.func @transform_12(%arg0: i32) -> (i32, i32) {
    %c0_i32 = arith.constant 0 : i32
    %c0_i32_0 = arith.constant 0 : i32
    %c0_i32_1 = arith.constant 0 : i32
    return %c0_i32, %c0_i32_0 : i32, i32
  }
  func.func @transform_13(%arg0: i32) -> (i32, i32) {
    %c0_i32 = arith.constant 0 : i32
    %c0_i32_0 = arith.constant 0 : i32
    %c0_i32_1 = arith.constant 0 : i32
    return %c0_i32, %c0_i32_0 : i32, i32
  }
  func.func @transform_14(%arg0: i32) -> (i32, i32) {
    %c0_i32 = arith.constant 0 : i32
    %c0_i32_0 = arith.constant 0 : i32
    %c0_i32_1 = arith.constant 0 : i32
    return %c0_i32, %c0_i32_0 : i32, i32
  }
  func.func @transform_15(%arg0: i32) -> (i32, i32) {
    %c0_i32 = arith.constant 0 : i32
    %c0_i32_0 = arith.constant 0 : i32
    %c0_i32_1 = arith.constant 0 : i32
    return %c0_i32, %c0_i32_0 : i32, i32
  }
  func.func @transform_16(%arg0: i32) -> (i32, i32) {
    %c0_i32 = arith.constant 0 : i32
    %c0_i32_0 = arith.constant 0 : i32
    %c0_i32_1 = arith.constant 0 : i32
    return %c0_i32, %c0_i32_0 : i32, i32
  }
  func.func @transform_17(%arg0: i32) -> (i32, i32) {
    %c0_i32 = arith.constant 0 : i32
    %c0_i32_0 = arith.constant 0 : i32
    %c0_i32_1 = arith.constant 0 : i32
    return %c0_i32, %c0_i32_0 : i32, i32
  }
  func.func @transform_18(%arg0: i32) -> (i32, i32) {
    %c0_i32 = arith.constant 0 : i32
    %c0_i32_0 = arith.constant 0 : i32
    %c0_i32_1 = arith.constant 0 : i32
    return %c0_i32, %c0_i32_0 : i32, i32
  }
  func.func @transform_19(%arg0: i32) -> (i32, i32) {
    %c0_i32 = arith.constant 0 : i32
    %c0_i32_0 = arith.constant 0 : i32
    %c0_i32_1 = arith.constant 0 : i32
    return %c0_i32, %c0_i32_0 : i32, i32
  }
  func.func @transform_20(%arg0: i32) -> (i32, i32) {
    %c0_i32 = arith.constant 0 : i32
    %c0_i32_0 = arith.constant 0 : i32
    %c0_i32_1 = arith.constant 0 : i32
    return %c0_i32, %c0_i32_0 : i32, i32
  }
  func.func @transform_21(%arg0: i32) -> (i32, i32) {
    %c0_i32 = arith.constant 0 : i32
    %c0_i32_0 = arith.constant 0 : i32
    %c0_i32_1 = arith.constant 0 : i32
    return %c0_i32, %c0_i32_0 : i32, i32
  }
  func.func @transform_22(%arg0: i32) -> (i32, i32) {
    %c0_i32 = arith.constant 0 : i32
    %c0_i32_0 = arith.constant 0 : i32
    %c0_i32_1 = arith.constant 0 : i32
    return %c0_i32, %c0_i32_0 : i32, i32
  }
  func.func @transform_23(%arg0: i32) -> (i32, i32) {
    %c0_i32 = arith.constant 0 : i32
    %c0_i32_0 = arith.constant 0 : i32
    return %arg0, %c0_i32 : i32, i32
  }
}

</mosaic_0001>

<sc_bundles>
// kernel: kernel.5.cloned.1.call-start
scs
__scs_entry_jumppad:
0x0: {  	(pc) =	sbr.rel $0x88, $3  }
0x1: {  	(tag) =	ssettag $0x0;
	lr =	simm.s32 $0x1  }
0x2: {  	[smem:$0x3F8B] =	sst lr;
	_ =	strace $0xD0000000  }
0x3: {  	_ = 	snop  }
0x4: {  	_ = 	snop  }
0x5: {  	_ = 	snop  }
0x6: {  	_ = 	snop  }
0x7: {  	_ = 	snop  }
__scs_overlays_trampoline_lowered:
0x8: {  	[smem:$0x3F9A] =	sst s0  }
0x9: {  	[smem:$0x3F9B] =	sst s1  }
0xa: {  	[smem:$0x3F9C] =	sst s2  }
0xb: {  	[smem:$0x3F9D] =	sst s3  }
0xc: {  	[smem:$0x3F9E] =	sst s4  }
0xd: {  	[smem:$0x3F9F] =	sst s5  }
0xe: {  	[smem:$0x3FA0] =	sst s6  }
0xf: {  	[smem:$0x3FA1] =	sst s7  }
0x10: {  	[smem:$0x3FA2] =	sst s8  }
0x11: {  	[smem:$0x3FA3] =	sst s9;
	s0 =	simm.s32 @!p0 $0x0  }
0x12: {  	s1 =	sld [smem:$0x3F89];
	s0 =	simm.s32 @p0 $0x1  }
0x13: {  	[smem:$0x3FA4] =	sst s0;
	s0 =	simm.s32 @!p1 $0x0  }
0x14: {  	s2 =	sld [smem:$0x3F88];
	s0 =	simm.s32 @p1 $0x1  }
0x15: {  	[smem:$0x3FA5] =	sst s0;
	s0 =	simm.s32 @!p2 $0x0  }
0x16: {  	s3 =	sld [smem:$0x3FDB];
	s0 =	simm.s32 @p2 $0x1  }
0x17: {  	s4 =	simm.s32 $0x1BF5;
	[smem:$0x3FA7] =	sst s0  }
0x18: {  	s0 =	sld [smem:$0x3F8A];
	_ =	swait.ge [sflag:s4], $0x0  }
0x19: {  	s7 =	sld [smem:$0x3F8B]  }
0x1a: {  	s8 =	sadd.s32 $0xFFFFE003, lr  }
0x1b: {  	s9 =	sadd.s32 $0xFFFFFEF7, lr;
	s5 =	simm.s32 $0xFFFFFFFF;
	p2 =	slt.u32 s8, $0xFFFFF086  }
0x1c: {  	p1 =	slt.u32 s9, $0xF7A;
	s5 =	simm.s32 @!p2 $0x0  }
0x1d: {  	s5 =	simm.s32 @p1 $0x1;
	p0 =	seq.s32 s7, s2  }
0x1e: {  	s7 =	smul.u32 @!p0 $0xF7A, s2;
	p2 =	seq.s32 @!p0 s5, $0x0  }
0x1f: {  	s9 =	smul.u32 $0xF7A, s1;
	s8 =	simm.s32 @!p0 $0x1BF5;
	p2 =	por !p2, p0  }
0x20: {  	[sflag:s8] =	ssyncset.s32 @!p0 $0xFFFFF086;
	s6 =	sadd.s32 @!p0 s3, s7;
	s7 =	simm.s32 @!p0 $0x108  }
0x21: {  	s3 =	sadd.s32 s3, s9;
	s6 =	sadd.s32 @!p0 $0x88, s6;
	s7 =	simm.s32 @p2 $0x1082  }
0x22: {  	[simem:s7], [sflag:s8] =	dma.local @!p0 [hbm:s6], $0xF7A  }
0x23: {  	s9 =	sor.u32 $0xD0000000, s2;
	s6 =	simm.s32 $0x108;
	_ =	swait.ge @!p0 [sflag:s8], $0x0  }
0x24: {  	s3 =	sadd.s32 $0x88, s3;
	s6 =	simm.s32 @!p1 $0x1082;
	[sflag:s4] =	ssyncset.s32 $0xFFFFF086  }
0x25: {  	[simem:s6], [sflag:s4] =	dma.local [hbm:s3], $0xF7A  }
0x26: {  	[smem:$0x3F8B] =	sst s1;
	(tag) =	ssettag s2;
	_ =	strace s9  }
0x27: {  	s1 =	sld [smem:$0x3F9B]  }
0x28: {  	s2 =	sld [smem:$0x3F9C]  }
0x29: {  	s4 =	sld [smem:$0x3F9E]  }
0x2a: {  	p0 =	seq.s32 s5, $0x0;
	s5 =	sld [smem:$0x3F9F]  }
0x2b: {  	s6 =	sld [smem:$0x3FA0]  }
0x2c: {  	s7 =	sld [smem:$0x3FA1]  }
0x2d: {  	s3 =	simm.s32 $0x108;
	s8 =	sld [smem:$0x3FA2]  }
0x2e: {  	s3 =	simm.s32 @!p0 $0x1082;
	s9 =	sld [smem:$0x3FA3]  }
0x2f: {  	lr =	sadd.s32 s0, s3;
	s0 =	sld [smem:$0x3F9A]  }
0x30: {  	s3 =	sld [smem:$0x3F9D]  }
0x31: {  	[smem:$0x3FA6] =	sst s10  }
0x32: {  	s10 =	sld [smem:$0x3FA4];
	_ =	sdelay $0x3  }
0x33: {  	p0 =	seq.s32 s10, $0x1;
	s10 =	sld [smem:$0x3FA6];
	_ =	sdelay $0x3  }
0x34: {  	[smem:$0x3FA6] =	sst s10  }
0x35: {  	s10 =	sld [smem:$0x3FA5];
	_ =	sdelay $0x3  }
0x36: {  	p1 =	seq.s32 s10, $0x1;
	s10 =	sld [smem:$0x3FA6];
	_ =	sdelay $0x3  }
0x37: {  	[smem:$0x3FA6] =	sst s10  }
0x38: {  	s10 =	sld [smem:$0x3FA7]  }
0x39: {  	_ = 	snop;
	(pc) =	sbr.ind lr, $3  }
0x3a: {  	_ = 	snop  }
0x3b: {  	_ = 	snop  }
0x3c: {  	p2 =	seq.s32 s10, $0x1;
	s10 =	sld [smem:$0x3FA6]  }
0x3d: {  	_ =	shalt  }
0x3e: {  	_ =	shalt  }
0x3f: {  	_ =	shalt  }
0x40: {  	_ =	shalt  }
0x41: {  	_ =	shalt  }
0x42: {  	_ =	shalt  }
0x43: {  	_ =	shalt  }
0x44: {  	_ =	shalt  }
0x45: {  	_ =	shalt  }
0x46: {  	_ =	shalt  }
0x47: {  	_ =	shalt  }
0x48: {  	_ =	shalt  }
0x49: {  	_ =	shalt  }
0x4a: {  	_ =	shalt  }
0x4b: {  	_ =	shalt  }
0x4c: {  	_ =	shalt  }
0x4d: {  	_ =	shalt  }
0x4e: {  	_ =	shalt  }
0x4f: {  	_ =	shalt  }
0x50: {  	_ =	shalt  }
0x51: {  	_ =	shalt  }
0x52: {  	_ =	shalt  }
0x53: {  	_ =	shalt  }
0x54: {  	_ =	shalt  }
0x55: {  	_ =	shalt  }
0x56: {  	_ =	shalt  }
0x57: {  	_ =	shalt  }
0x58: {  	_ =	shalt  }
0x59: {  	_ =	shalt  }
0x5a: {  	_ =	shalt  }
0x5b: {  	_ =	shalt  }
0x5c: {  	_ =	shalt  }
0x5d: {  	_ =	shalt  }
0x5e: {  	_ =	shalt  }
0x5f: {  	_ =	shalt  }
0x60: {  	_ =	shalt  }
0x61: {  	_ =	shalt  }
0x62: {  	_ =	shalt  }
0x63: {  	_ =	shalt  }
0x64: {  	_ =	shalt  }
0x65: {  	_ =	shalt  }
0x66: {  	_ =	shalt  }
0x67: {  	_ =	shalt  }
0x68: {  	_ =	shalt  }
0x69: {  	_ =	shalt  }
0x6a: {  	_ =	shalt  }
0x6b: {  	_ =	shalt  }
0x6c: {  	_ =	shalt  }
0x6d: {  	_ =	shalt  }
0x6e: {  	_ =	shalt  }
0x6f: {  	_ =	shalt  }
0x70: {  	_ =	shalt  }
0x71: {  	_ =	shalt  }
0x72: {  	_ =	shalt  }
0x73: {  	_ =	shalt  }
0x74: {  	_ =	shalt  }
0x75: {  	_ =	shalt  }
0x76: {  	_ =	shalt  }
0x77: {  	_ =	shalt  }
0x78: {  	_ =	shalt  }
0x79: {  	_ =	shalt  }
0x7a: {  	_ =	shalt  }
0x7b: {  	_ =	shalt  }
0x7c: {  	_ =	shalt  }
0x7d: {  	_ =	shalt  }
0x7e: {  	_ =	shalt  }
0x7f: {  	_ =	shalt  }
0x80: {  	_ =	shalt  }
0x81: {  	_ =	shalt  }
0x82: {  	_ =	shalt  }
0x83: {  	_ =	shalt  }
0x84: {  	_ =	shalt  }
0x85: {  	_ =	shalt  }
0x86: {  	_ =	shalt  }
0x87: {  	_ =	shalt  }
.Lfunc_end0:
.L_simem_size_0:
called_computation_lowered:
.L_overlay_start_0:
0x88: {  	s2 =	sld [smem:$0x3FD9]  }
0x89: {  	s3 =	sld [smem:$0x3FFE];
	_ =	sdelay $0x1  }
0x8a: {  	s1 =	srdreg.scid  }
0x8b: {  	s0 =	sand.u32 $0x1, s1  }
0x8c: {  	s17 =	sshll.u32 s0, $0xA;
	s2 =	sadd.s32 s3, s2  }
0x8d: {  	s2 =	sadd.s32 s2, s17  }
0x8e: {  	[smem:$0x3FB2] =	sst s2  }
0x8f: {  	_ = 	snop  }
0x90: {  	s2 =	sld [smem:$0x3FD0];
	(tm) =	ssettm $0x1  }
0x91: {  	s18 =	sld [smem:$0x3FFB];
	_ =	sdelay $0x3  }
0x92: {  	_ =	strace s18  }
0x93: {  	s3 =	sld [smem:$0x3FFC];
	_ =	sdelay $0x3  }
0x94: {  	_ =	strace s3  }
0x95: {  	s3 =	sld [smem:$0x3FFD];
	_ =	sdelay $0x3  }
0x96: {  	_ =	strace s3  }
0x97: {  	_ =	strace $0x8FFFFFFF  }
0x98: {  	s19 =	sld [smem:$0x3FDB];
	_ =	sdelay $0x1  }
0x99: {  	s4 =	simm.s32 $_scs_section_size  }
0x9a: {  	s5 =	simm.s32 $_size__tile_overlayer_lowered;
	s6 =	simm.s32 $_tile_overlayer_lowered  }
0x9b: {  	s22 =	simm.s32 $0x1BFF;
	s21 =	sshll.u32 s6, $0x1;
	s3 =	sadd.s32 s4, s19  }
0x9c: {  	s7 =	simm.s32 $0x0;
	s20 =	sshll.u32 s5, $0x1;
	s5 =	sadd.s32 s21, s3  }
0x9d: {  	[timem:s7], [sflag:s22] =	dma.local [hbm:s5], s20  }
0x9e: {  	_ =	swait.ge [sflag:s22], s20  }
0x9f: {  	s4 =	ssub.s32 $0x0, s20;
	[sflag:s22] =	ssyncset.done $0x0  }
0xa0: {  	[sflag:s22] =	ssyncadd.s32 s4;
	_ =	sdelay $0x1  }
0xa1: {  	s23 =	simm.s32 $0x1B8B  }
0xa2: {  	_ =	swait.ge [sflag:s23], $0x1  }
0xa3: {  	[sflag:s23] =	ssyncset.done $0x0  }
0xa4: {  	s25 =	simm.s32 $0x1B8E;
	s24 =	sld [smem:$0x3FFE];
	[sflag:s23] =	ssyncadd.s32 $0xFFFFFFFF  }
0xa5: {  	s26 =	simm.s32 $execute0_lowered;
	[smem:$0x3FD2] =	sst s25  }
0xa6: {  	s5 =	sshll.u32 s26, $0x1;
	_ =	strace $0x80000046;
	[dreg:$0x1] =	wrdreg $0xFFFFFFFF  }
0xa7: {  	s28 =	simm.s32 $_size_execute0_lowered;
	s3 =	sadd.s32 s3, s5;
	[dreg:$0x0] =	wrdreg $0x0  }
0xa8: {  	s5 =	sshll.u32 s28, $0x1;
	[dreg:$0x2] =	wrdreg s3  }
0xa9: {  	[dreg:$0x3] =	wrdreg s5  }
0xaa: {  	[dreg:$0x4] =	wrdreg $0xC0  }
0xab: {  	_ =	task [dreg:s7], $0x5FFFF  }
0xac: {  	[dreg:$0x1] =	wrdreg $0xFFFFFFFF  }
0xad: {  	[dreg:$0x0] =	wrdreg $0x60  }
0xae: {  	[dreg:$0x2] =	wrdreg s2  }
0xaf: {  	[dreg:$0x3] =	wrdreg s24  }
0xb0: {  	[dreg:$0x4] =	wrdreg $0x9  }
0xb1: {  	_ =	task.clear_ibuf [dreg:s7], $0x5FFFF;
	_ =	strace $0x90000046  }
0xb2: {  	s29 =	simm.s32 $0x9;
	_ =	strace $0x80000048  }
0xb3: {  	_ =	swait.ge [sflag:s29], $0x1  }
0xb4: {  	[sflag:s29] =	ssyncadd.s32 $0xFFFFFFFF  }
0xb5: {  	_ =	strace $0x90000048  }
0xb6: {  	_ =	sfence  }
0xb7: {  	s30 =	sld [smem:$0x0];
	_ =	sdelay $0x2  }
0xb8: {  	s31 =	sshll.u32 s1, $0xD;
	s1 =	sshrl.u32 s1, $0x2  }
0xb9: {  	s3 =	sand.u32 $0x4000, s31;
	s1 =	sadd.s32 s1, s30  }
0xba: {  	s0 =	sor.u32 s3, s0;
	s1 =	sshll.u32 s1, $0x11  }
0xbb: {  	s0 =	sor.u32 s1, s0  }
0xbc: {  	s0 =	sadd.s32 $0x8F2B, s0  }
0xbd: {  	[sflag:s0] =	ssyncadd.remote.s32 $0x1  }
0xbe: {  	_ =	sfence.sel $0xFFFF  }
0xbf: {  	[dreg:$0x0] =	wrdreg $0xFFFFFFFF;
	(pc) =	sbr.abs _section_cstart, $3  }
0xc0: {  	[dreg:$0x1] =	wrdreg $0xFFFFFFFF  }
0xc1: {  	_ =	task.clear_ibuf [dreg:s7], $0x2FFFF;
	_ =	strace $0x9FFFFFFF  }
0xc2: {  	(tm) =	ssettm $0x7FFFFFFF  }
0xc3: {  	_ =	shalt  }
tec
execute0_lowered:
.L_overlay_start_1:
0x0: {  	(tag) =	ssettag $0x1  }
0x1: {  	s1 =	srdreg.scid;
	s2 =	rddreg [dreg:$0x0]  }
0x2: {  	s0 =	stileid.u32;
	s4 =	rddreg [dreg:$0x1]  }
0x3: {  	s3 =	simm.s32 $0x0;
	s12 =	simm.s32 $0x3E80;
	s13 =	simm.s32 $0x10680  }
0x4: {  	s14 =	simm.s32 $0x1;
	s15 =	simm.s32 $0x3;
	s16 =	simm.s32 $0x280  }
0x5: {  	s17 =	simm.s32 $0x2;
	s18 =	simm.s32 $0x4;
	s19 =	simm.s32 $0x3D40  }
0x6: {  	s20 =	simm.s32 $0x0;
	s5 =	sand.u32 $0x1, s1;
	s30 =	sshll.u32 s0, $0x1  }
0x7: {  	s1 =	rddreg [dreg:$0x2];
	s10 =	smul.u32 $0x9C400, s0;
	s6 =	sor.u32 s5, s30  }
0x8: {  	[smem:$0x7FF] =	sst s3;
	s8 =	ssub.s32 $0x2, s5;
	s7 =	smul.u32 $0x3E80, s6  }
0x9: {  	s9 =	sadd.s32 $0x19AA00, s4;
	s6 =	smul.u32 $0x4E200, s6;
	s31 =	sshrl.u32 s8, $0x1  }
0xa: {  	_ =	strace $0x80000047;
	s11 =	smul.u32 $0x4E200, s5;
	s8 =	ssub.s32 s8, s31  }
0xb: {  	s7 =	sshrl.u32 s7, $0x3;
	s5 =	smax.u32 s8, $0x1;
	s6 =	sadd.s32 s9, s6  }
0xc: {  	s9 =	sadd.s32 s10, s9;
	s10 =	simm.s32 $0x5;
	s7 =	sadd.s32 s7, s4  }
0xd: {  	s8 =	sadd.s32 $0x4C900, s6;
	s9 =	sadd.s32 s11, s9;
	s11 =	simm.s32 $0x140  }
0xe: {  	s4 =	sadd.s32 $0x18B000, s7;
	s7 =	sadd.s32 $0x1900, s6;
	s9 =	sadd.s32 $0x3200, s9  }
.LBB2_1:
0xf: {  	[tilespmem:s3], [sflag:$0x5] =	stream.linear.gather [hbm4b:s4+s3], $0x3E80, $0x38;
	[tilespmem:$0x1CE80] =	vst v63  }
0x10: {  	_ =	swait.ge [sflag:s10], $0x3E80  }
0x11: {  	[sflag:s10] =	ssyncset.done $0x0  }
0x12: {  	[sflag:s10] =	ssyncadd.s32 $0xFFFFC180  }
0x13: {  	[tilespmem:s12], [sflag:$0x1] =	stream.indirect.gather [hbm4b:s2+s11], $0xA0, s3, s11, $0xb8;
	[tilespmem:$0x1CE80] =	vst v63  }
0x14: {  	_ = 	snop  }
0x15: {  	[tilespmem:s13], [sflag:$0x2] =	stream.indirect.gather [hbm4b:s2+s11], $0xA0, s11, s11, $0xb8;
	[tilespmem:$0x1CE80] =	vst v63  }
0x16: {  	_ =	swait.ge [sflag:s14], $0xC800  }
0x17: {  	[sflag:s14] =	ssyncset.done $0x0  }
0x18: {  	[sflag:s14] =	ssyncadd.s32 $0xFFFF3800  }
0x19: {  	[hbm4b:s6+s3] =	stream.linear.scatter [tilespmem:s12], [sflag:$0x3], $0xC800, $0x38;
	[tilespmem:$0x1CE80] =	vst v63  }
0x1a: {  	_ =	swait.ge [sflag:s15], $0xC800  }
0x1b: {  	[sflag:s15] =	ssyncset.done $0x0  }
0x1c: {  	[sflag:s15] =	ssyncadd.s32 $0xFFFF3800  }
0x1d: {  	[tilespmem:s12], [sflag:$0x1] =	stream.indirect.gather [hbm4b:s2+s11], $0xA0, s16, s11, $0xb8;
	[tilespmem:$0x1CE80] =	vst v63  }
0x1e: {  	_ =	swait.ge [sflag:s17], $0xC800  }
0x1f: {  	[sflag:s17] =	ssyncset.done $0x0  }
0x20: {  	[sflag:s17] =	ssyncadd.s32 $0xFFFF3800  }
0x21: {  	[hbm4b:s7+s3] =	stream.linear.scatter [tilespmem:s13], [sflag:$0x4], $0xC800, $0x38;
	[tilespmem:$0x1CE80] =	vst v63  }
0x22: {  	_ =	swait.ge [sflag:s18], $0xC800  }
0x23: {  	[sflag:s18] =	ssyncset.done $0x0  }
0x24: {  	s21 =	simm.s32 $0x3C0;
	[sflag:s18] =	ssyncadd.s32 $0xFFFF3800  }
0x25: {  	[tilespmem:s13], [sflag:$0x2] =	stream.indirect.gather [hbm4b:s2+s11], $0xA0, s21, s11, $0xb8;
	[tilespmem:$0x1CE80] =	vst v63  }
0x26: {  	_ =	swait.ge [sflag:s14], $0xC800  }
0x27: {  	[sflag:s14] =	ssyncset.done $0x0  }
0x28: {  	[sflag:s14] =	ssyncadd.s32 $0xFFFF3800  }
0x29: {  	[hbm4b:s9+s3] =	stream.linear.scatter [tilespmem:s12], [sflag:$0x3], $0xC800, $0x38;
	[tilespmem:$0x1CE80] =	vst v63  }
0x2a: {  	_ =	swait.ge [sflag:s15], $0xC800  }
0x2b: {  	[sflag:s15] =	ssyncset.done $0x0  }
0x2c: {  	s31 =	simm.s32 $0x500;
	[sflag:s15] =	ssyncadd.s32 $0xFFFF3800  }
0x2d: {  	[tilespmem:s12], [sflag:$0x1] =	stream.indirect.gather [hbm4b:s2+s11], $0xA0, s31, s11, $0xb8;
	[tilespmem:$0x1CE80] =	vst v63  }
0x2e: {  	_ =	swait.ge [sflag:s17], $0xC800  }
0x2f: {  	s22 =	simm.s32 $0xA00;
	[sflag:s17] =	ssyncset.done $0x0  }
0x30: {  	s23 =	sadd.s32 $0x1900, s9;
	s21 =	sadd.s32 $0x3200, s9;
	[sflag:s17] =	ssyncadd.s32 $0xFFFF3800  }
.LBB2_2:
0x31: {  	[hbm4b:s23+s3] =	stream.linear.scatter [tilespmem:s13], [sflag:$0x4], $0xC800, $0x38;
	[tilespmem:$0x1CE80] =	vst v63  }
0x32: {  	s23 =	smov.u32 s22  }
0x33: {  	p0 =	sne.s32 s22, $0xDC00;
	s22 =	sadd.s32 $0xA00, s22;
	_ =	swait.ge [sflag:s18], $0xC800  }
0x34: {  	s23 =	sshra.s32 s23, $0x2;
	[sflag:s18] =	ssyncset.done $0x0  }
0x35: {  	s24 =	sadd.s32 $0x3C0, s23;
	[sflag:s18] =	ssyncadd.s32 $0xFFFF3800  }
0x36: {  	[tilespmem:s13], [sflag:$0x2] =	stream.indirect.gather [hbm4b:s2+s11], $0xA0, s24, s11, $0xb8;
	[tilespmem:$0x1CE80] =	vst v63  }
0x37: {  	_ =	swait.ge [sflag:s14], $0xC800  }
0x38: {  	[sflag:s14] =	ssyncset.done $0x0  }
0x39: {  	[sflag:s14] =	ssyncadd.s32 $0xFFFF3800  }
0x3a: {  	[hbm4b:s21+s3] =	stream.linear.scatter [tilespmem:s12], [sflag:$0x3], $0xC800, $0x38;
	[tilespmem:$0x1CE80] =	vst v63  }
0x3b: {  	_ =	swait.ge [sflag:s15], $0xC800  }
0x3c: {  	[sflag:s15] =	ssyncset.done $0x0  }
.Ltmp0:
0x3d: {  	s23 =	sadd.s32 $0x500, s23;
	[sflag:s15] =	ssyncadd.s32 $0xFFFF3800;
	(pc) =	sbr.rel @p0 .LBB2_2-.Ltmp0, $4  }
0x3e: {  	[tilespmem:s12], [sflag:$0x1] =	stream.indirect.gather [hbm4b:s2+s11], $0xA0, s23, s11, $0xb8;
	[tilespmem:$0x1CE80] =	vst v63  }
0x3f: {  	_ =	swait.ge [sflag:s17], $0xC800  }
0x40: {  	[sflag:s17] =	ssyncset.done $0x0  }
0x41: {  	s23 =	sadd.s32 $0x1900, s21;
	s21 =	sadd.s32 $0x3200, s21;
	[sflag:s17] =	ssyncadd.s32 $0xFFFF3800  }
0x42: {  	[hbm4b:s23+s3] =	stream.linear.scatter [tilespmem:s13], [sflag:$0x4], $0xC800, $0x38;
	[tilespmem:$0x1CE80] =	vst v63  }
0x43: {  	_ =	swait.ge [sflag:s18], $0xC800  }
0x44: {  	[sflag:s18] =	ssyncset.done $0x0  }
0x45: {  	[sflag:s18] =	ssyncadd.s32 $0xFFFF3800  }
0x46: {  	[tilespmem:s13], [sflag:$0x2] =	stream.indirect.gather [hbm4b:s2+s11], $0xA0, s19, s11, $0xb8;
	[tilespmem:$0x1CE80] =	vst v63  }
0x47: {  	_ =	swait.ge [sflag:s14], $0xC800  }
0x48: {  	[sflag:s14] =	ssyncset.done $0x0  }
0x49: {  	[sflag:s14] =	ssyncadd.s32 $0xFFFF3800  }
0x4a: {  	[hbm4b:s21+s3] =	stream.linear.scatter [tilespmem:s12], [sflag:$0x3], $0xC800, $0x38;
	[tilespmem:$0x1CE80] =	vst v63  }
0x4b: {  	_ =	swait.ge [sflag:s17], $0xC800  }
0x4c: {  	[sflag:s17] =	ssyncset.done $0x0  }
0x4d: {  	s20 =	sadd.s32 $0x1, s20;
	[sflag:s17] =	ssyncadd.s32 $0xFFFF3800  }
0x4e: {  	[hbm4b:s8+s3] =	stream.linear.scatter [tilespmem:s13], [sflag:$0x4], $0xC800, $0x38;
	[tilespmem:$0x1CE80] =	vst v63  }
0x4f: {  	p0 =	sne.s32 s20, s5;
	_ =	swait.ge [sflag:s15], $0xC800  }
.Ltmp1:
0x50: {  	[sflag:s15] =	ssyncset.done $0x0;
	(pc) =	sbr.rel @p0 .LBB2_1-.Ltmp1, $4  }
0x51: {  	[sflag:s15] =	ssyncadd.s32 $0xFFFF3800  }
0x52: {  	_ =	swait.ge [sflag:s18], $0xC800  }
0x53: {  	[sflag:s18] =	ssyncset.done $0x0  }
0x54: {  	[sflag:s18] =	ssyncadd.s32 $0xFFFF3800  }
0x55: {  	_ =	sfence.sel $0x180000  }
0x56: {  	[bflag:$0x0] =	sbarrier.arrive $0xFFFF  }
0x57: {  	p0 =	sne.s32 s0, $0x0;
	_ =	strace $0x90000047  }
0x58: {  	s0 =	sadd.s32 @!p0 $0x100000, s1;
	[bflag:$0x2] =	sbarrier.arrive $0xFFFF  }
0x59: {  	[sflag:s0] =	ssyncadd.tile.s32 @!p0 $0x1;
	_ =	shalt  }
.Lfunc_end2:
_tile_overlayer_lowered:
.L_overlay_start_2:
0x5a: {  	(tag) =	ssettag $0x2  }
0x5b: {  	s0 =	rddreg [dreg:$0x0];
	s2 =	stileid.u32  }
0x5c: {  	s1 =	rddreg [dreg:$0x1];
	p0 =	sne.s32 s2, $0x0  }
0x5d: {  	s3 =	rddreg [dreg:$0x2];
	[bflag:$0x3] =	sbarrier.arrive $0xFFFF;
	s2 =	simm.s32 @!p0 $0x1C05  }
0x5e: {  	[timem:s3], [sflag:s2] =	dma.local @!p0 [hbm:s0], s1  }
0x5f: {  	s0 =	simm.s32 @!p0 $0x5  }
0x60: {  	_ =	swait.ge @!p0 [sflag:s0], s1  }
0x61: {  	s1 =	ssub.s32 @!p0 $0x0, s1;
	[sflag:s0] =	ssyncset.done @!p0 $0x0  }
0x62: {  	[sflag:s0] =	ssyncadd.s32 @!p0 s1  }
0x63: {  	[bflag:$0x3] =	sbarrier.arrive $0xFFFF  }
0x64: {  	_ =	shalt  }

// kernel: kernel.8.cloned.1.call-start
scs
__scs_entry_jumppad:
0x0: {  	(pc) =	sbr.rel $0x88, $3  }
0x1: {  	(tag) =	ssettag $0x0;
	lr =	simm.s32 $0x1  }
0x2: {  	[smem:$0x3F8B] =	sst lr;
	_ =	strace $0xD0000000  }
0x3: {  	_ = 	snop  }
0x4: {  	_ = 	snop  }
0x5: {  	_ = 	snop  }
0x6: {  	_ = 	snop  }
0x7: {  	_ = 	snop  }
__scs_overlays_trampoline_lowered:
0x8: {  	[smem:$0x3F9A] =	sst s0  }
0x9: {  	[smem:$0x3F9B] =	sst s1  }
0xa: {  	[smem:$0x3F9C] =	sst s2  }
0xb: {  	[smem:$0x3F9D] =	sst s3  }
0xc: {  	[smem:$0x3F9E] =	sst s4  }
0xd: {  	[smem:$0x3F9F] =	sst s5  }
0xe: {  	[smem:$0x3FA0] =	sst s6  }
0xf: {  	[smem:$0x3FA1] =	sst s7  }
0x10: {  	[smem:$0x3FA2] =	sst s8  }
0x11: {  	[smem:$0x3FA3] =	sst s9;
	s0 =	simm.s32 @!p0 $0x0  }
0x12: {  	s1 =	sld [smem:$0x3F89];
	s0 =	simm.s32 @p0 $0x1  }
0x13: {  	[smem:$0x3FA4] =	sst s0;
	s0 =	simm.s32 @!p1 $0x0  }
0x14: {  	s2 =	sld [smem:$0x3F88];
	s0 =	simm.s32 @p1 $0x1  }
0x15: {  	[smem:$0x3FA5] =	sst s0;
	s0 =	simm.s32 @!p2 $0x0  }
0x16: {  	s3 =	sld [smem:$0x3FDB];
	s0 =	simm.s32 @p2 $0x1  }
0x17: {  	s4 =	simm.s32 $0x1BF5;
	[smem:$0x3FA7] =	sst s0  }
0x18: {  	s0 =	sld [smem:$0x3F8A];
	_ =	swait.ge [sflag:s4], $0x0  }
0x19: {  	s7 =	sld [smem:$0x3F8B]  }
0x1a: {  	s8 =	sadd.s32 $0xFFFFE003, lr  }
0x1b: {  	s9 =	sadd.s32 $0xFFFFFEF7, lr;
	s5 =	simm.s32 $0xFFFFFFFF;
	p2 =	slt.u32 s8, $0xFFFFF086  }
0x1c: {  	p1 =	slt.u32 s9, $0xF7A;
	s5 =	simm.s32 @!p2 $0x0  }
0x1d: {  	s5 =	simm.s32 @p1 $0x1;
	p0 =	seq.s32 s7, s2  }
0x1e: {  	s7 =	smul.u32 @!p0 $0xF7A, s2;
	p2 =	seq.s32 @!p0 s5, $0x0  }
0x1f: {  	s9 =	smul.u32 $0xF7A, s1;
	s8 =	simm.s32 @!p0 $0x1BF5;
	p2 =	por !p2, p0  }
0x20: {  	[sflag:s8] =	ssyncset.s32 @!p0 $0xFFFFF086;
	s6 =	sadd.s32 @!p0 s3, s7;
	s7 =	simm.s32 @!p0 $0x108  }
0x21: {  	s3 =	sadd.s32 s3, s9;
	s6 =	sadd.s32 @!p0 $0x88, s6;
	s7 =	simm.s32 @p2 $0x1082  }
0x22: {  	[simem:s7], [sflag:s8] =	dma.local @!p0 [hbm:s6], $0xF7A  }
0x23: {  	s9 =	sor.u32 $0xD0000000, s2;
	s6 =	simm.s32 $0x108;
	_ =	swait.ge @!p0 [sflag:s8], $0x0  }
0x24: {  	s3 =	sadd.s32 $0x88, s3;
	s6 =	simm.s32 @!p1 $0x1082;
	[sflag:s4] =	ssyncset.s32 $0xFFFFF086  }
0x25: {  	[simem:s6], [sflag:s4] =	dma.local [hbm:s3], $0xF7A  }
0x26: {  	[smem:$0x3F8B] =	sst s1;
	(tag) =	ssettag s2;
	_ =	strace s9  }
0x27: {  	s1 =	sld [smem:$0x3F9B]  }
0x28: {  	s2 =	sld [smem:$0x3F9C]  }
0x29: {  	s4 =	sld [smem:$0x3F9E]  }
0x2a: {  	p0 =	seq.s32 s5, $0x0;
	s5 =	sld [smem:$0x3F9F]  }
0x2b: {  	s6 =	sld [smem:$0x3FA0]  }
0x2c: {  	s7 =	sld [smem:$0x3FA1]  }
0x2d: {  	s3 =	simm.s32 $0x108;
	s8 =	sld [smem:$0x3FA2]  }
0x2e: {  	s3 =	simm.s32 @!p0 $0x1082;
	s9 =	sld [smem:$0x3FA3]  }
0x2f: {  	lr =	sadd.s32 s0, s3;
	s0 =	sld [smem:$0x3F9A]  }
0x30: {  	s3 =	sld [smem:$0x3F9D]  }
0x31: {  	[smem:$0x3FA6] =	sst s10  }
0x32: {  	s10 =	sld [smem:$0x3FA4];
	_ =	sdelay $0x3  }
0x33: {  	p0 =	seq.s32 s10, $0x1;
	s10 =	sld [smem:$0x3FA6];
	_ =	sdelay $0x3  }
0x34: {  	[smem:$0x3FA6] =	sst s10  }
0x35: {  	s10 =	sld [smem:$0x3FA5];
	_ =	sdelay $0x3  }
0x36: {  	p1 =	seq.s32 s10, $0x1;
	s10 =	sld [smem:$0x3FA6];
	_ =	sdelay $0x3  }
0x37: {  	[smem:$0x3FA6] =	sst s10  }
0x38: {  	s10 =	sld [smem:$0x3FA7]  }
0x39: {  	_ = 	snop;
	(pc) =	sbr.ind lr, $3  }
0x3a: {  	_ = 	snop  }
0x3b: {  	_ = 	snop  }
0x3c: {  	p2 =	seq.s32 s10, $0x1;
	s10 =	sld [smem:$0x3FA6]  }
0x3d: {  	_ =	shalt  }
0x3e: {  	_ =	shalt  }
0x3f: {  	_ =	shalt  }
0x40: {  	_ =	shalt  }
0x41: {  	_ =	shalt  }
0x42: {  	_ =	shalt  }
0x43: {  	_ =	shalt  }
0x44: {  	_ =	shalt  }
0x45: {  	_ =	shalt  }
0x46: {  	_ =	shalt  }
0x47: {  	_ =	shalt  }
0x48: {  	_ =	shalt  }
0x49: {  	_ =	shalt  }
0x4a: {  	_ =	shalt  }
0x4b: {  	_ =	shalt  }
0x4c: {  	_ =	shalt  }
0x4d: {  	_ =	shalt  }
0x4e: {  	_ =	shalt  }
0x4f: {  	_ =	shalt  }
0x50: {  	_ =	shalt  }
0x51: {  	_ =	shalt  }
0x52: {  	_ =	shalt  }
0x53: {  	_ =	shalt  }
0x54: {  	_ =	shalt  }
0x55: {  	_ =	shalt  }
0x56: {  	_ =	shalt  }
0x57: {  	_ =	shalt  }
0x58: {  	_ =	shalt  }
0x59: {  	_ =	shalt  }
0x5a: {  	_ =	shalt  }
0x5b: {  	_ =	shalt  }
0x5c: {  	_ =	shalt  }
0x5d: {  	_ =	shalt  }
0x5e: {  	_ =	shalt  }
0x5f: {  	_ =	shalt  }
0x60: {  	_ =	shalt  }
0x61: {  	_ =	shalt  }
0x62: {  	_ =	shalt  }
0x63: {  	_ =	shalt  }
0x64: {  	_ =	shalt  }
0x65: {  	_ =	shalt  }
0x66: {  	_ =	shalt  }
0x67: {  	_ =	shalt  }
0x68: {  	_ =	shalt  }
0x69: {  	_ =	shalt  }
0x6a: {  	_ =	shalt  }
0x6b: {  	_ =	shalt  }
0x6c: {  	_ =	shalt  }
0x6d: {  	_ =	shalt  }
0x6e: {  	_ =	shalt  }
0x6f: {  	_ =	shalt  }
0x70: {  	_ =	shalt  }
0x71: {  	_ =	shalt  }
0x72: {  	_ =	shalt  }
0x73: {  	_ =	shalt  }
0x74: {  	_ =	shalt  }
0x75: {  	_ =	shalt  }
0x76: {  	_ =	shalt  }
0x77: {  	_ =	shalt  }
0x78: {  	_ =	shalt  }
0x79: {  	_ =	shalt  }
0x7a: {  	_ =	shalt  }
0x7b: {  	_ =	shalt  }
0x7c: {  	_ =	shalt  }
0x7d: {  	_ =	shalt  }
0x7e: {  	_ =	shalt  }
0x7f: {  	_ =	shalt  }
0x80: {  	_ =	shalt  }
0x81: {  	_ =	shalt  }
0x82: {  	_ =	shalt  }
0x83: {  	_ =	shalt  }
0x84: {  	_ =	shalt  }
0x85: {  	_ =	shalt  }
0x86: {  	_ =	shalt  }
0x87: {  	_ =	shalt  }
.Lfunc_end0:
.L_simem_size_0:
called_computation.1_lowered:
.L_overlay_start_0:
0x88: {  	s2 =	sld [smem:$0x3FD9]  }
0x89: {  	s3 =	sld [smem:$0x3FFE];
	_ =	sdelay $0x1  }
0x8a: {  	s1 =	srdreg.scid  }
0x8b: {  	s0 =	sand.u32 $0x1, s1  }
0x8c: {  	s17 =	sshll.u32 s0, $0xA;
	s2 =	sadd.s32 s3, s2  }
0x8d: {  	s2 =	sadd.s32 s2, s17  }
0x8e: {  	[smem:$0x3FB2] =	sst s2  }
0x8f: {  	_ = 	snop  }
0x90: {  	(tm) =	ssettm $0x1  }
0x91: {  	s18 =	sld [smem:$0x3FFB];
	_ =	sdelay $0x3  }
0x92: {  	_ =	strace s18  }
0x93: {  	s2 =	sld [smem:$0x3FFC];
	_ =	sdelay $0x3  }
0x94: {  	_ =	strace s2  }
0x95: {  	s2 =	sld [smem:$0x3FFD];
	_ =	sdelay $0x3  }
0x96: {  	_ =	strace s2  }
0x97: {  	_ =	strace $0x8FFFFFFF  }
0x98: {  	s19 =	sld [smem:$0x3FDB];
	_ =	sdelay $0x1  }
0x99: {  	s20 =	simm.s32 $_scs_section_size  }
0x9a: {  	s4 =	simm.s32 $_size__tile_overlayer_lowered;
	s5 =	simm.s32 $_tile_overlayer_lowered  }
0x9b: {  	s6 =	simm.s32 $0x1BFF;
	s21 =	sshll.u32 s5, $0x1;
	s3 =	sadd.s32 s20, s19  }
0x9c: {  	s22 =	simm.s32 $0x0;
	s4 =	sshll.u32 s4, $0x1;
	s5 =	sadd.s32 s21, s3  }
0x9d: {  	[timem:s22], [sflag:s6] =	dma.local [hbm:s5], s4  }
0x9e: {  	_ =	swait.ge [sflag:s6], s4  }
0x9f: {  	s4 =	ssub.s32 $0x0, s4;
	[sflag:s6] =	ssyncset.done $0x0  }
0xa0: {  	[sflag:s6] =	ssyncadd.s32 s4;
	_ =	sdelay $0x1  }
0xa1: {  	s23 =	simm.s32 $0x1B8B  }
0xa2: {  	_ =	swait.ge [sflag:s23], $0x1  }
0xa3: {  	[sflag:s23] =	ssyncset.done $0x0  }
0xa4: {  	[sflag:s23] =	ssyncadd.s32 $0xFFFFFFFF  }
0xa5: {  	s4 =	sld [smem:$0x0]  }
0xa6: {  	s5 =	sand.u32 $0xFFFFFFFE, s1  }
0xa7: {  	p0 =	sne.s32 s1, s5  }
0xa8: {  	s5 =	sshll.u32 @p0 s5, $0xE  }
0xa9: {  	s5 =	sadd.s32 @p0 $0x11B8D, s5;
	s6 =	sshll.u32 @p0 s4, $0x11  }
0xaa: {  	s5 =	sor.u32 @p0 s6, s5  }
0xab: {  	[sflag:s5] =	ssyncadd.remote.s32 @p0 $0x1;
	_ =	sdelay $0x1  }
0xac: {  	s5 =	simm.s32 @p0 $0x1B8D  }
0xad: {  	_ =	swait.eq @p0 [sflag:s5], $0x1  }
0xae: {  	[sflag:s5] =	ssyncadd.s32 @p0 $0xFFFFFFFF  }
0xaf: {  	s6 =	sshll.u32 @!p0 s1, $0xE  }
0xb0: {  	s6 =	sor.u32 @!p0 $0x4000, s6;
	s5 =	simm.s32 @!p0 $0x1B8D  }
0xb1: {  	s4 =	sshll.u32 @!p0 s4, $0x11;
	s6 =	sadd.s32 @!p0 $0x11B8D, s6;
	_ =	swait.eq @!p0 [sflag:s5], $0x1  }
0xb2: {  	s4 =	sor.u32 @!p0 s4, s6;
	[sflag:s5] =	ssyncadd.s32 @!p0 $0xFFFFFFFF  }
0xb3: {  	s25 =	simm.s32 $0x1B8E;
	s24 =	sld [smem:$0x3FFE];
	[sflag:s4] =	ssyncadd.remote.s32 @!p0 $0x1  }
0xb4: {  	s26 =	simm.s32 $execute0_lowered;
	[smem:$0x3FD2] =	sst s25  }
0xb5: {  	s5 =	sshll.u32 s26, $0x1;
	_ =	strace $0x80000049;
	[dreg:$0x1] =	wrdreg $0xFFFFFFFF  }
0xb6: {  	s28 =	simm.s32 $_size_execute0_lowered;
	s3 =	sadd.s32 s3, s5;
	[dreg:$0x0] =	wrdreg $0x0  }
0xb7: {  	s5 =	sshll.u32 s28, $0x1;
	[dreg:$0x2] =	wrdreg s3  }
0xb8: {  	[dreg:$0x3] =	wrdreg s5  }
0xb9: {  	[dreg:$0x4] =	wrdreg $0xC0  }
0xba: {  	_ =	task [dreg:s22], $0x5FFFF  }
0xbb: {  	[dreg:$0x1] =	wrdreg $0xFFFFFFFF  }
0xbc: {  	[dreg:$0x0] =	wrdreg $0x60  }
0xbd: {  	[dreg:$0x2] =	wrdreg s24  }
0xbe: {  	[dreg:$0x3] =	wrdreg $0xA  }
0xbf: {  	_ =	task.clear_ibuf [dreg:s22], $0x4FFFF;
	_ =	strace $0x90000049  }
0xc0: {  	s29 =	simm.s32 $0xA;
	_ =	strace $0x8000004B  }
0xc1: {  	_ =	swait.ge [sflag:s29], $0x1  }
0xc2: {  	[sflag:s29] =	ssyncadd.s32 $0xFFFFFFFF  }
0xc3: {  	_ =	strace $0x9000004B  }
0xc4: {  	_ =	sfence  }
0xc5: {  	s30 =	sld [smem:$0x0];
	_ =	sdelay $0x2  }
0xc6: {  	s31 =	sshll.u32 s1, $0xD;
	s1 =	sshrl.u32 s1, $0x2  }
0xc7: {  	s4 =	sand.u32 $0x4000, s31;
	s1 =	sadd.s32 s1, s30  }
0xc8: {  	s0 =	sor.u32 s4, s0;
	s1 =	sshll.u32 s1, $0x11  }
0xc9: {  	s0 =	sor.u32 s1, s0  }
0xca: {  	s0 =	sadd.s32 $0x8F2B, s0  }
0xcb: {  	[sflag:s0] =	ssyncadd.remote.s32 $0x1  }
0xcc: {  	_ =	sfence.sel $0xFFFF  }
0xcd: {  	[dreg:$0x0] =	wrdreg $0xFFFFFFFF;
	(pc) =	sbr.abs _section_cstart, $3  }
0xce: {  	[dreg:$0x1] =	wrdreg $0xFFFFFFFF  }
0xcf: {  	_ =	task.clear_ibuf [dreg:s22], $0x2FFFF;
	_ =	strace $0x9FFFFFFF  }
0xd0: {  	(tm) =	ssettm $0x7FFFFFFF  }
0xd1: {  	_ =	shalt  }
tec
execute0_lowered:
.L_overlay_start_1:
0x0: {  	(tag) =	ssettag $0x1  }
0x1: {  	s1 =	srdreg.scid;
	s0 =	stileid.u32  }
0x2: {  	s3 =	sand.u32 $0x1, s1;
	s31 =	sshll.u32 s0, $0x1  }
0x3: {  	s4 =	rddreg [dreg:$0x0];
	s2 =	simm.s32 $0x0;
	s1 =	sor.u32 s3, s31  }
0x4: {  	[smem:$0x7FF] =	sst s2;
	s3 =	ssub.s32 $0x2, s3;
	s6 =	smul.u32 $0x640, s1  }
0x5: {  	s8 =	simm.s32 $0x0;
	s1 =	rddreg [dreg:$0x1];
	s7 =	sshrl.u32 s3, $0x1  }
0x6: {  	_ =	strace $0x8000004A;
	s7 =	ssub.s32 s3, s7;
	s5 =	sshrl.u32 s6, $0x3  }
0x7: {  	s3 =	sadd.s32 $0xB5EA00, s4;
	v0 =	vmov s6;
	s6 =	simm.s32 $0x1;
	s5 =	sadd.s32 s5, s4  }
0x8: {  	v1 =	vimm.f32 $0.0e+00;
	v2 =	vimm.f32 $1.000000000e+00;
	s4 =	sadd.s32 $0xB60400, s5;
	s5 =	smax.u32 s7, $0x1;
	s7 =	simm.s32 $0xC800  }
.LBB2_1:
0x9: {  	[tilespmem:s2], [sflag:$0x1] =	stream.linear.gather [hbm4b:s3+s2], $0xC800, $0x38;
	[tilespmem:$0xCE80] =	vst v63  }
0xa: {  	_ =	swait.ge [sflag:s6], $0xC800  }
0xb: {  	[sflag:s6] =	ssyncset.done $0x0  }
0xc: {  	s9 =	simm.s32 $0x0;
	[sflag:s6] =	ssyncadd.s32 $0xFFFF3800  }
.LBB2_2:
0xd: {  	p0 =	sne.s32 s9, $0x18C0  }
.Ltmp0:
0xe: {  	_ = 	snop;
	(pc) =	sbr.rel @p0 .LBB2_2-.Ltmp0, $3  }
0xf: {  	_ =	sdelay $0x1  }
0x10: {  	s10 =	sshra.s32 s9, $0x2  }
0x11: {  	s9 =	sadd.s32 $0x40, s9;
	[tilespmem:s10+$0xC800] =	vst v1  }
0x12: {  	s10 =	simm.s32 $0x0;
	s9 =	simm.s32 $0x40  }
.LBB2_4:
0x13: {  	p0 =	sne.s32 s9, $0x31FC0;
	v3 =	vld [tilespmem:s10+$0x0];
	_ =	sdelay $0x4  }
0x14: {  	v3 =	vsub.s32 v3, v0  }
0x15: {  	vm0 =	vlt.u32 v3, $0x640  }
0x16: {  	v3 =	vnsel vm0, $0x0, v3  }
.Ltmp1:
0x17: {  	(pc) =	sbr.rel @p0 .LBB2_4-.Ltmp1, $2  }
0x18: {  	_ =	sdelay $0x2  }
0x19: {  	s10 =	sshra.s32 s9, $0x2;
	s9 =	sadd.s32 $0x40, s9;
	[tilespmem:v3+s7+$0x0] =	vst.idx.msk vm0, v2  }
0x1a: {  	v3 =	vld [tilespmem:s10+$0x0];
	_ =	sdelay $0x4  }
0x1b: {  	v3 =	vsub.s32 v3, v0  }
0x1c: {  	vm0 =	vlt.u32 v3, $0x640  }
0x1d: {  	v3 =	vnsel vm0, $0x0, v3;
	_ =	sdelay $0x2  }
0x1e: {  	s8 =	sadd.s32 $0x1, s8  }
0x1f: {  	p0 =	sne.s32 s8, s5  }
.Ltmp2:
0x20: {  	[tilespmem:v3+s7+$0x0] =	vst.idx.msk vm0, v2;
	(pc) =	sbr.rel @p0 .LBB2_1-.Ltmp2, $4  }
0x21: {  	[hbm4b:s4+s2] =	stream.linear.scatter [tilespmem:s7], [sflag:$0x1], $0x640, $0x38;
	[tilespmem:$0xCE80] =	vst v63  }
0x22: {  	_ =	swait.ge [sflag:s6], $0x640  }
0x23: {  	[sflag:s6] =	ssyncset.done $0x0  }
0x24: {  	[sflag:s6] =	ssyncadd.s32 $0xFFFFF9C0  }
0x25: {  	_ =	sfence.sel $0x180000  }
0x26: {  	[bflag:$0x0] =	sbarrier.arrive $0xFFFF  }
0x27: {  	p0 =	sne.s32 s0, $0x0;
	_ =	strace $0x9000004A  }
0x28: {  	s0 =	sadd.s32 @!p0 $0x100000, s1;
	[bflag:$0x2] =	sbarrier.arrive $0xFFFF  }
0x29: {  	[sflag:s0] =	ssyncadd.tile.s32 @!p0 $0x1;
	_ =	shalt  }
.Lfunc_end2:
_tile_overlayer_lowered:
.L_overlay_start_2:
0x2a: {  	(tag) =	ssettag $0x2  }
0x2b: {  	s0 =	rddreg [dreg:$0x0];
	s2 =	stileid.u32  }
0x2c: {  	s1 =	rddreg [dreg:$0x1];
	p0 =	sne.s32 s2, $0x0  }
0x2d: {  	s3 =	rddreg [dreg:$0x2];
	[bflag:$0x3] =	sbarrier.arrive $0xFFFF;
	s2 =	simm.s32 @!p0 $0x1C01  }
0x2e: {  	[timem:s3], [sflag:s2] =	dma.local @!p0 [hbm:s0], s1  }
0x2f: {  	s0 =	simm.s32 @!p0 $0x1  }
0x30: {  	_ =	swait.ge @!p0 [sflag:s0], s1  }
0x31: {  	s1 =	ssub.s32 @!p0 $0x0, s1;
	[sflag:s0] =	ssyncset.done @!p0 $0x0  }
0x32: {  	[sflag:s0] =	ssyncadd.s32 @!p0 s1  }
0x33: {  	[bflag:$0x3] =	sbarrier.arrive $0xFFFF  }
0x34: {  	_ =	shalt  }

</sc_bundles>
